<compile_context>
chip_gen: v7x
topology: tpu7x:2x2x1
jax: 0.10.2.dev20260603
libtpu: 0.0.44.dev20260713+nightly
codegen_flags: <defaults>
</compile_context>

<pallas_src>
import functools

import jax
import jax.numpy as jnp
from jax import lax
from jax.experimental import pallas as pl
from jax.experimental.pallas import tpu as pltpu
from jax.experimental.pallas import tpu_sc as plsc

_EPS = 1e-5
_CHUNK = 128


def _pre_body(x_ref, g_ref, b_ref, w1t_ref, b1_ref, y_ref):
    X = x_ref[...]
    m = jnp.mean(X, axis=0, keepdims=True)
    dv = X - m
    v = jnp.mean(dv * dv, axis=0, keepdims=True)
    h = dv * (g_ref[...] * lax.rsqrt(v + _EPS)) + b_ref[...]
    h = jnp.maximum(h, 0.0)
    y_ref[...] = jnp.dot(h, w1t_ref[...], preferred_element_type=jnp.float32) + b1_ref[...]


def _stats_body(msg_ref, out_ref, *, block_r, n_edges, d_hid):
    i = pl.program_id(0)

    @pl.when(i == 0)
    def _():
        out_ref[...] = jnp.zeros_like(out_ref)

    Tb = jnp.transpose(msg_ref[...])
    edge = (i * 8 * block_r
            + (lax.broadcasted_iota(jnp.int32, (8 * d_hid, block_r), 0) // d_hid) * block_r
            + lax.broadcasted_iota(jnp.int32, (8 * d_hid, block_r), 1))
    Mv = jnp.where(edge < n_edges, Tb, 0.0)
    s1 = jnp.sum(Mv, axis=1, keepdims=True)
    s2 = jnp.sum(Mv * Mv, axis=1, keepdims=True)
    f1 = s1[0:d_hid, :]
    f2 = s2[0:d_hid, :]
    for b in range(1, 8):
        f1 = f1 + s1[b * d_hid:(b + 1) * d_hid, :]
        f2 = f2 + s2[b * d_hid:(b + 1) * d_hid, :]
    out_ref[...] += jnp.concatenate([f1, f2], axis=1)


def _edge_body(ea_ref, msg_ref, ew_ref, st_ref, gm_ref, bm_ref, wk1_ref,
               bk1_ref, wk2p_ref, bk2p_ref, out_ref, *, block_r, n_edges, d_hid):
    i = pl.program_id(0)
    be = 8 * block_r
    m = st_ref[:, 0:1] * (1.0 / n_edges)
    v = st_ref[:, 1:2] * (1.0 / n_edges) - m * m
    a = gm_ref[...] * lax.rsqrt(v + _EPS)
    c = bm_ref[...] - m * a
    Tb = jnp.transpose(msg_ref[...])
    msg_t = jnp.concatenate(
        [Tb[b * d_hid:(b + 1) * d_hid, :] for b in range(8)], axis=1)
    msgn = jnp.maximum(msg_t * a + c, 0.0)
    t = jnp.dot(wk1_ref[...], ea_ref[...], preferred_element_type=jnp.float32)
    t = jnp.maximum(t + bk1_ref[...], 0.0)
    kt = jnp.dot(wk2p_ref[...], t, preferred_element_type=jnp.float32) + bk2p_ref[...]
    acc = kt[0:d_hid, :]
    for j in range(d_hid):
        acc = acc + kt[(j + 1) * d_hid:(j + 2) * d_hid, :] * msgn[j:j + 1, :]
    cols = i * be + lax.broadcasted_iota(jnp.int32, (d_hid, be), 1)
    acc = jnp.where(cols < n_edges, acc * ew_ref[...], 0.0)
    stacked = jnp.concatenate(
        [acc[:, b * block_r:(b + 1) * block_r] for b in range(8)], axis=0)
    out_ref[...] = jnp.transpose(stacked)


def _post_body(u_ref, gu_ref, bu_ref, w2_ref, b2_ref, go_ref, bo_ref, out_ref,
               *, n_nodes, d_hid, d_out):
    nr = n_nodes // 8
    U = u_ref[0] + u_ref[1]
    s1 = jnp.sum(U, axis=0, keepdims=True)
    s2 = jnp.sum(U * U, axis=0, keepdims=True)
    f1 = s1[:, 0:d_hid]
    f2 = s2[:, 0:d_hid]
    for b in range(1, 8):
        f1 = f1 + s1[:, b * d_hid:(b + 1) * d_hid]
        f2 = f2 + s2[:, b * d_hid:(b + 1) * d_hid]
    m = f1 * (1.0 / n_nodes)
    v = f2 * (1.0 / n_nodes) - m * m
    a = gu_ref[...] * lax.rsqrt(v + _EPS)
    c = bu_ref[...] - m * a
    a8 = jnp.concatenate([a] * 8, axis=1)
    c8 = jnp.concatenate([c] * 8, axis=1)
    un = jnp.maximum(U * a8 + c8, 0.0)
    T = jnp.transpose(un)
    un_t = jnp.concatenate(
        [T[b * d_hid:(b + 1) * d_hid, :] for b in range(8)], axis=1)
    O = jnp.dot(w2_ref[...], un_t, preferred_element_type=jnp.float32) + b2_ref[...]
    m2 = jnp.mean(O, axis=1, keepdims=True)
    d2 = O - m2
    v2 = jnp.mean(d2 * d2, axis=1, keepdims=True)
    on = d2 * (go_ref[...] * lax.rsqrt(v2 + _EPS)) + bo_ref[...]
    for b in range(8):
        out_ref[:, b, :] = jnp.transpose(on[:, b * nr:(b + 1) * nr])


@functools.lru_cache(maxsize=None)
def _make_gather(n_nodes, d, ep):
    info = plsc.get_sparse_core_info()
    nc, ns = info.num_cores, info.num_subcores
    nw = nc * ns
    pw = ep // nw
    ch = pw // _CHUNK
    mesh = plsc.VectorSubcoreMesh(core_axis_name="c", subcore_axis_name="s")

    @functools.partial(
        pl.kernel,
        mesh=mesh,
        out_type=jax.ShapeDtypeStruct((ep, d), jnp.float32),
        scratch_types=[
            pltpu.VMEM((ch, _CHUNK), jnp.int32),
            pltpu.VMEM((pw, d), jnp.float32),
            pltpu.VMEM_SHARED((n_nodes, d), jnp.float32),
            pltpu.SemaphoreType.DMA,
        ],
        compiler_params=pltpu.CompilerParams(use_tc_tiling_on_sc=False),
    )
    def gather_k(y_hbm, idx_hbm, out_hbm, idx_v, rows_v, ytab, sem):
        cc = lax.axis_index("c")
        ss = lax.axis_index("s")
        wid = ss * nc + cc

        @pl.when(ss == 0)
        def _():
            pltpu.sync_copy(y_hbm, ytab)

        pltpu.sync_copy(idx_hbm.at[pl.ds(wid * ch, ch)], idx_v)
        plsc.subcore_barrier()

        def body(j, carry):
            pltpu.async_copy(ytab.at[idx_v.at[j]],
                             rows_v.at[pl.ds(j * _CHUNK, _CHUNK)], sem)
            return carry

        lax.fori_loop(0, ch, body, 0)
        pltpu.make_async_copy(out_hbm.at[pl.ds(wid * pw, pw)], rows_v, sem).wait()
        pltpu.sync_copy(rows_v, out_hbm.at[pl.ds(wid * pw, pw)])

    return gather_k


@functools.lru_cache(maxsize=None)
def _make_scatter(n_nodes, d, ep):
    info = plsc.get_sparse_core_info()
    nc, ns = info.num_cores, info.num_subcores
    nw = nc * ns
    pw = ep // nw
    ch = pw // _CHUNK
    rps = n_nodes // ns
    mesh = plsc.VectorSubcoreMesh(core_axis_name="c", subcore_axis_name="s")

    @functools.partial(
        pl.kernel,
        mesh=mesh,
        out_type=jax.ShapeDtypeStruct((nc, n_nodes, d), jnp.float32),
        scratch_types=[
            pltpu.VMEM((ch, _CHUNK), jnp.int32),
            pltpu.VMEM((pw, d), jnp.float32),
            pltpu.VMEM_SHARED((n_nodes, d), jnp.float32),
            pltpu.SemaphoreType.DMA,
        ],
        compiler_params=pltpu.CompilerParams(use_tc_tiling_on_sc=False),
    )
    def scatter_k(contrib_hbm, idx_hbm, zeros_hbm, out_hbm, idx_v, cont_v, acc_sh, sem):
        cc = lax.axis_index("c")
        ss = lax.axis_index("s")
        wid = ss * nc + cc

        @pl.when(ss == 0)
        def _():
            pltpu.sync_copy(zeros_hbm, acc_sh)

        pltpu.sync_copy(idx_hbm.at[pl.ds(ep // _CHUNK + wid * ch, ch)], idx_v)
        pltpu.sync_copy(contrib_hbm.at[pl.ds(wid * pw, pw)], cont_v)
        plsc.subcore_barrier()

        def body(j, carry):
            pltpu.sync_copy(cont_v.at[pl.ds(j * _CHUNK, _CHUNK)],
                            acc_sh.at[idx_v.at[j]], add=True)
            return carry

        lax.fori_loop(0, ch, body, 0)
        plsc.subcore_barrier()
        pltpu.sync_copy(acc_sh.at[pl.ds(ss * rps, rps)],
                        out_hbm.at[cc].at[pl.ds(ss * rps, rps)])

    return scatter_k


def kernel(x, edge_index, edge_attr, edge_weight, W1, b1, Wk1, bk1, Wk2, bk2,
           W2, b2, g_in, beta_in, g_msg, beta_msg, g_upd, beta_upd, g_out, beta_out):
    n, d_in = x.shape
    e, d_edge = edge_attr.shape
    d_hid = W1.shape[0]
    d_out = W2.shape[0]
    k_hid = Wk1.shape[0]

    info = plsc.get_sparse_core_info()
    nw = info.num_cores * info.num_subcores
    unit = nw * _CHUNK
    ep = ((e + unit - 1) // unit) * unit

    block_r = 1024
    idx_all = jnp.pad(edge_index.astype(jnp.int32), ((0, 0), (0, ep - e)))
    idx_all = (idx_all.reshape(2, ep // (8 * block_r), 8, block_r)
               .swapaxes(2, 3).reshape(2 * (ep // _CHUNK), _CHUNK))

    y = pl.pallas_call(
        _pre_body,
        out_shape=jax.ShapeDtypeStruct((n, d_hid), jnp.float32),
        in_specs=[
            pl.BlockSpec((n, d_in), lambda: (0, 0)),
            pl.BlockSpec((1, d_in), lambda: (0, 0)),
            pl.BlockSpec((1, d_in), lambda: (0, 0)),
            pl.BlockSpec((d_in, d_hid), lambda: (0, 0)),
            pl.BlockSpec((1, d_hid), lambda: (0, 0)),
        ],
        out_specs=pl.BlockSpec((n, d_hid), lambda: (0, 0)),
    )(x, g_in.reshape(1, -1), beta_in.reshape(1, -1), W1.T, b1.reshape(1, -1))

    msg_raw = _make_gather(n, d_hid, ep)(y, idx_all)

    msg_pk = msg_raw.reshape(ep // 8, 8 * d_hid)
    ea_t = edge_attr.T
    ew_row = edge_weight.reshape(1, -1)

    grid = ep // (8 * block_r)
    stats = pl.pallas_call(
        functools.partial(_stats_body, block_r=block_r, n_edges=e, d_hid=d_hid),
        grid=(grid,),
        out_shape=jax.ShapeDtypeStruct((d_hid, 2), jnp.float32),
        in_specs=[pl.BlockSpec((block_r, 8 * d_hid), lambda i: (i, 0))],
        out_specs=pl.BlockSpec((d_hid, 2), lambda i: (0, 0)),
    )(msg_pk)

    wk2p = jnp.concatenate(
        [Wk2[:d_hid],
         Wk2[d_hid:].reshape(d_hid, d_hid, k_hid).transpose(1, 0, 2).reshape(d_hid * d_hid, k_hid)],
        axis=0)
    bk2p = jnp.concatenate(
        [bk2[:d_hid], bk2[d_hid:].reshape(d_hid, d_hid).T.reshape(-1)], axis=0)
    contrib_pk = pl.pallas_call(
        functools.partial(_edge_body, block_r=block_r, n_edges=e, d_hid=d_hid),
        grid=(grid,),
        out_shape=jax.ShapeDtypeStruct((ep // 8, 8 * d_hid), jnp.float32),
        in_specs=[
            pl.BlockSpec((d_edge, 8 * block_r), lambda i: (0, i)),
            pl.BlockSpec((block_r, 8 * d_hid), lambda i: (i, 0)),
            pl.BlockSpec((1, 8 * block_r), lambda i: (0, i)),
            pl.BlockSpec((d_hid, 2), lambda i: (0, 0)),
            pl.BlockSpec((d_hid, 1), lambda i: (0, 0)),
            pl.BlockSpec((d_hid, 1), lambda i: (0, 0)),
            pl.BlockSpec((k_hid, d_edge), lambda i: (0, 0)),
            pl.BlockSpec((k_hid, 1), lambda i: (0, 0)),
            pl.BlockSpec(((d_hid + 1) * d_hid, k_hid), lambda i: (0, 0)),
            pl.BlockSpec(((d_hid + 1) * d_hid, 1), lambda i: (0, 0)),
        ],
        out_specs=pl.BlockSpec((block_r, 8 * d_hid), lambda i: (i, 0)),
    )(ea_t, msg_pk, ew_row, stats, g_msg.reshape(-1, 1), beta_msg.reshape(-1, 1),
      Wk1, bk1.reshape(-1, 1), wk2p, bk2p.reshape(-1, 1))

    zeros = jnp.zeros((n, d_hid), jnp.float32)
    parts = _make_scatter(n, d_hid, ep)(contrib_pk.reshape(ep, d_hid), idx_all, zeros)

    parts_pk = parts.reshape(2, n // 8, 8 * d_hid)
    out3 = pl.pallas_call(
        functools.partial(_post_body, n_nodes=n, d_hid=d_hid, d_out=d_out),
        out_shape=jax.ShapeDtypeStruct((n // 8, 8, d_out), jnp.float32),
        in_specs=[
            pl.BlockSpec((2, n // 8, 8 * d_hid), lambda: (0, 0, 0)),
            pl.BlockSpec((1, d_hid), lambda: (0, 0)),
            pl.BlockSpec((1, d_hid), lambda: (0, 0)),
            pl.BlockSpec((d_out, d_hid), lambda: (0, 0)),
            pl.BlockSpec((d_out, 1), lambda: (0, 0)),
            pl.BlockSpec((d_out, 1), lambda: (0, 0)),
            pl.BlockSpec((d_out, 1), lambda: (0, 0)),
        ],
        out_specs=pl.BlockSpec((n // 8, 8, d_out), lambda: (0, 0, 0)),
    )(parts_pk, g_upd.reshape(1, -1), beta_upd.reshape(1, -1), W2,
      b2.reshape(-1, 1), g_out.reshape(-1, 1), beta_out.reshape(-1, 1))
    return out3.reshape(n, d_out)

# --- scband reference (transcript-rebuilt; emitter-appended) ---
"""Pipeline reference for scband-ieconv-layer-22144851378304 (READ-ONLY COPY).

The authoritative reference and input builder live on the scoring server;
editing this copy changes nothing except your own understanding.
"""

import jax, jax.numpy as jnp
import numpy as np

N = 10000
E = 160000
D_IN = 128
D_HID = 16
D_OUT = 128
D_EDGE = 16
K_HID = 32


def _bn(x, g, b):
    # BatchNorm1d forward (training-mode batch statistics, biased variance, eps=1e-5)
    m = jnp.mean(x, axis=0)
    v = jnp.var(x, axis=0)
    return (x - m) / jnp.sqrt(v + 1e-5) * g + b


def setup_inputs(seed: int = 0) -> dict:
    key = jax.random.key(seed)
    ks = jax.random.split(key, 16)
    x = jax.random.normal(ks[0], (N, D_IN), dtype=jnp.float32)
    edge_index = jax.random.randint(ks[1], (2, E), 0, N, dtype=jnp.int64) if jax.config.jax_enable_x64 else jax.random.randint(ks[1], (2, E), 0, N, dtype=jnp.int32)
    edge_attr = jax.random.normal(ks[2], (E, D_EDGE), dtype=jnp.float32)
    edge_weight = jax.random.uniform(ks[3], (E,), dtype=jnp.float32)
    s1 = 1.0 / np.sqrt(D_IN)
    W1 = jax.random.uniform(ks[4], (D_HID, D_IN), minval=-s1, maxval=s1, dtype=jnp.float32)
    b1 = jax.random.uniform(ks[5], (D_HID,), minval=-s1, maxval=s1, dtype=jnp.float32)
    sk1 = 1.0 / np.sqrt(D_EDGE)
    Wk1 = jax.random.uniform(ks[6], (K_HID, D_EDGE), minval=-sk1, maxval=sk1, dtype=jnp.float32)
    bk1 = jax.random.uniform(ks[7], (K_HID,), minval=-sk1, maxval=sk1, dtype=jnp.float32)
    sk2 = 1.0 / np.sqrt(K_HID)
    Wk2 = jax.random.uniform(ks[8], ((D_HID + 1) * D_HID, K_HID), minval=-sk2, maxval=sk2, dtype=jnp.float32)
    bk2 = jax.random.uniform(ks[9], ((D_HID + 1) * D_HID,), minval=-sk2, maxval=sk2, dtype=jnp.float32)
    s2 = 1.0 / np.sqrt(D_HID)
    W2 = jax.random.uniform(ks[10], (D_OUT, D_HID), minval=-s2, maxval=s2, dtype=jnp.float32)
    b2 = jax.random.uniform(ks[11], (D_OUT,), minval=-s2, maxval=s2, dtype=jnp.float32)
    return {
        "x": x, "edge_index": edge_index, "edge_attr": edge_attr, "edge_weight": edge_weight,
        "W1": W1, "b1": b1, "Wk1": Wk1, "bk1": bk1, "Wk2": Wk2, "bk2": bk2, "W2": W2, "b2": b2,
        "g_in": jnp.ones((D_IN,), jnp.float32), "beta_in": jnp.zeros((D_IN,), jnp.float32),
        "g_msg": jnp.ones((D_HID,), jnp.float32), "beta_msg": jnp.zeros((D_HID,), jnp.float32),
        "g_upd": jnp.ones((D_HID,), jnp.float32), "beta_upd": jnp.zeros((D_HID,), jnp.float32),
        "g_out": jnp.ones((D_OUT,), jnp.float32), "beta_out": jnp.zeros((D_OUT,), jnp.float32),
    }


def reference(x, edge_index, edge_attr, edge_weight, W1, b1, Wk1, bk1, Wk2, bk2, W2, b2,
              g_in, beta_in, g_msg, beta_msg, g_upd, beta_upd, g_out, beta_out):
    # input batch norm + activation (dropout = identity at eval)
    inp = _bn(x, g_in, beta_in)
    layer_input = jax.nn.relu(inp)
    node_in = edge_index[0]
    node_out = edge_index[1]
    # message: gather src features, linear1, BN, relu
    msg = layer_input[node_in] @ W1.T + b1
    msg = _bn(msg, g_msg, beta_msg)
    msg = jax.nn.relu(msg)
    # per-edge kernel MLP: Linear -> relu -> Linear, reshaped to [E, H+1, H]
    k = jax.nn.relu(edge_attr @ Wk1.T + bk1) @ Wk2.T + bk2
    k = k.reshape(-1, D_HID + 1, D_HID)
    msg = jnp.einsum('ijk,ik->ij', k[:, 1:, :], msg) + k[:, 0, :]
    # aggregate: weighted scatter-add to dst nodes
    update = jax.ops.segment_sum(msg * edge_weight[:, None], node_out, num_segments=N)
    update = jax.nn.relu(_bn(update, g_upd, beta_upd))
    # combine + output batch norm
    output = update @ W2.T + b2
    output = _bn(output, g_out, beta_out)
    return output

if __name__ == "__main__":
    import jax
    _d = setup_inputs()
    print(jax.jit(kernel)(*tuple(_d.values())))

</pallas_src>

<mosaic_0001>
#map = affine_map<(d0, d1) -> (0, 0)>
module attributes {stable_mosaic.version = 14 : i64} {
  func.func @gather_k(%arg0: i32, %arg1: i32, %arg2: memref<10000x16xf32, #tpu.memory_space<hbm>>, %arg3: memref<2560x128xi32, #tpu.memory_space<hbm>>, %arg4: memref<163840x16xf32, #tpu.memory_space<hbm>>, %arg5: memref<40x128xi32, #tpu.memory_space<vmem>>, %arg6: memref<5120x16xf32, #tpu.memory_space<vmem>>, %arg7: memref<10000x16xf32, #tpu.memory_space<vmem_shared>>, %arg8: memref<!tpu.dma_semaphore, #tpu.memory_space<semaphore_mem>>) attributes {dimension_semantics = [#tpu.dimension_semantics<core_parallel>, #tpu.dimension_semantics<subcore_parallel>], iteration_bounds = array<i64: 2, 16>, scalar_prefetch = 0 : i64, scratch_operands = 4 : i64, tpu.core_type = #tpu.core_type<sc_vector_subcore>, window_params = [{transform_indices = #map}, {transform_indices = #map}, {transform_indices = #map}]} {
    %mul3A = arith.constant 2 : i32
    %mul3A_0 = arith.muli %arg1, %mul3A : i32
    %add3A = arith.addi %mul3A_0, %arg0 : i32
    %eq3A = arith.constant 0 : i32
    %eq3A_1 = arith.cmpi eq, %arg1, %eq3A : i32
    %convert_element_type3A = arith.extui %eq3A_1 : i1 to i32
    %cond3A = arith.constant 0 : i32
    %cond3A_2 = arith.cmpi ne, %convert_element_type3A, %cond3A : i32
    scf.if %cond3A_2 {
      "tpu.region"() ({
        %run_scoped3A = tpu.sem_alloc : memref<!tpu.dma_semaphore, #tpu.memory_space<semaphore_mem>>
        tpu.enqueue_dma source(%arg2 : memref<10000x16xf32, #tpu.memory_space<hbm>>) target(%arg7 : memref<10000x16xf32, #tpu.memory_space<vmem_shared>>) target_semaphore(%run_scoped3A : memref<!tpu.dma_semaphore, #tpu.memory_space<semaphore_mem>>)
        tpu.wait_dma2 semaphore(%run_scoped3A : memref<!tpu.dma_semaphore, #tpu.memory_space<semaphore_mem>>) src(%arg2 : memref<10000x16xf32, #tpu.memory_space<hbm>>) dst(%arg7 : memref<10000x16xf32, #tpu.memory_space<vmem_shared>>)
        tpu.yield
      }) : () -> ()
    } else {
    }
    %mul3A_3 = arith.constant 40 : i32
    %mul3A_4 = arith.muli %add3A, %mul3A_3 : i32
    "tpu.region"() ({
      %run_scoped3A = tpu.sem_alloc : memref<!tpu.dma_semaphore, #tpu.memory_space<semaphore_mem>>
      %dma_start3A = arith.constant 0 : i32
      %dma_start3A_17 = tpu.memref_slice %arg3[%mul3A_4, %dma_start3A] : memref<2560x128xi32, #tpu.memory_space<hbm>> -> memref<40x128xi32, #tpu.memory_space<hbm>>
      %dma_start3A_18 = arith.constant 0 : i32
      %dma_start3A_19 = tpu.memref_slice %arg3[%mul3A_4, %dma_start3A_18] : memref<2560x128xi32, #tpu.memory_space<hbm>> -> memref<40x128xi32, #tpu.memory_space<hbm>>
      tpu.enqueue_dma source(%dma_start3A_19 : memref<40x128xi32, #tpu.memory_space<hbm>>) target(%arg5 : memref<40x128xi32, #tpu.memory_space<vmem>>) target_semaphore(%run_scoped3A : memref<!tpu.dma_semaphore, #tpu.memory_space<semaphore_mem>>)
      %dma_wait3A_20 = arith.constant 0 : i32
      %dma_wait3A_21 = tpu.memref_slice %arg3[%mul3A_4, %dma_wait3A_20] : memref<2560x128xi32, #tpu.memory_space<hbm>> -> memref<40x128xi32, #tpu.memory_space<hbm>>
      %dma_wait3A_22 = arith.constant 0 : i32
      %dma_wait3A_23 = tpu.memref_slice %arg3[%mul3A_4, %dma_wait3A_22] : memref<2560x128xi32, #tpu.memory_space<hbm>> -> memref<40x128xi32, #tpu.memory_space<hbm>>
      tpu.wait_dma2 semaphore(%run_scoped3A : memref<!tpu.dma_semaphore, #tpu.memory_space<semaphore_mem>>) src(%dma_wait3A_23 : memref<40x128xi32, #tpu.memory_space<hbm>>) dst(%arg5 : memref<40x128xi32, #tpu.memory_space<vmem>>)
      tpu.yield
    }) : () -> ()
    %barrier3A = arith.constant 0 : index
    tpu.barrier barrier_id(%barrier3A)
    %scan3A = arith.constant 0 : i32
    %scan3A_5 = arith.constant 0 : i32
    %scan3A_6 = arith.constant 40 : i32
    %scan3A_7 = arith.addi %scan3A_5, %scan3A_6 : i32
    %scan3A_8 = arith.constant 1 : i32
    scf.for %scan3A_17 = %scan3A_5 to %scan3A_7 step %scan3A_8  : i32 {
      %mul3A_18 = arith.constant 128 : i32
      %mul3A_19 = arith.muli %scan3A_17, %mul3A_18 : i32
      %dma_start3A = arith.constant 0 : i32
      %dma_start3A_20 = tpu.memref_slice %arg6[%mul3A_19, %dma_start3A] : memref<5120x16xf32, #tpu.memory_space<vmem>> -> memref<128x16xf32, #tpu.memory_space<vmem>>
      %dma_start3A_21 = arith.constant 0 : i32
      %dma_start3A_22 = tpu.memref_slice %arg5[%scan3A_17, %dma_start3A_21] : memref<40x128xi32, #tpu.memory_space<vmem>> -> memref<1x128xi32, #tpu.memory_space<vmem>>
      %dma_start3A_23 = tpu.memref_squeeze %dma_start3A_22 : memref<1x128xi32, #tpu.memory_space<vmem>> -> memref<128xi32, #tpu.memory_space<vmem>>
      %dma_start3A_24 = arith.constant 0 : i32
      %dma_start3A_25 = arith.constant 0 : i32
      %dma_start3A_26 = tpu.memref_slice %arg7[%dma_start3A_24, %dma_start3A_25] : memref<10000x16xf32, #tpu.memory_space<vmem_shared>> -> memref<10000x16xf32, #tpu.memory_space<vmem_shared>>
      tpu.enqueue_indirect_dma source(%dma_start3A_26 : memref<10000x16xf32, #tpu.memory_space<vmem_shared>>) target(%dma_start3A_20 : memref<128x16xf32, #tpu.memory_space<vmem>>) offsets(%dma_start3A_23 : memref<128xi32, #tpu.memory_space<vmem>>) semaphore(%arg8 : memref<!tpu.dma_semaphore, #tpu.memory_space<semaphore_mem>>)
    }
    %scan3A_9 = arith.constant 40 : i32
    %mul3A_10 = arith.constant 5120 : i32
    %mul3A_11 = arith.muli %add3A, %mul3A_10 : i32
    %dma_wait3A = arith.constant 0 : i32
    %dma_wait3A_12 = tpu.memref_slice %arg4[%mul3A_11, %dma_wait3A] : memref<163840x16xf32, #tpu.memory_space<hbm>> -> memref<5120x16xf32, #tpu.memory_space<hbm>>
    %dma_wait3A_13 = arith.constant 0 : i32
    %dma_wait3A_14 = tpu.memref_slice %arg4[%mul3A_11, %dma_wait3A_13] : memref<163840x16xf32, #tpu.memory_space<hbm>> -> memref<5120x16xf32, #tpu.memory_space<hbm>>
    tpu.wait_dma2 semaphore(%arg8 : memref<!tpu.dma_semaphore, #tpu.memory_space<semaphore_mem>>) src(%dma_wait3A_14 : memref<5120x16xf32, #tpu.memory_space<hbm>>) dst(%arg6 : memref<5120x16xf32, #tpu.memory_space<vmem>>)
    %mul3A_15 = arith.constant 5120 : i32
    %mul3A_16 = arith.muli %add3A, %mul3A_15 : i32
    "tpu.region"() ({
      %run_scoped3A = tpu.sem_alloc : memref<!tpu.dma_semaphore, #tpu.memory_space<semaphore_mem>>
      %dma_start3A = arith.constant 0 : i32
      %dma_start3A_17 = tpu.memref_slice %arg4[%mul3A_16, %dma_start3A] : memref<163840x16xf32, #tpu.memory_space<hbm>> -> memref<5120x16xf32, #tpu.memory_space<hbm>>
      %dma_start3A_18 = arith.constant 0 : i32
      %dma_start3A_19 = tpu.memref_slice %arg4[%mul3A_16, %dma_start3A_18] : memref<163840x16xf32, #tpu.memory_space<hbm>> -> memref<5120x16xf32, #tpu.memory_space<hbm>>
      tpu.enqueue_dma source(%arg6 : memref<5120x16xf32, #tpu.memory_space<vmem>>) target(%dma_start3A_19 : memref<5120x16xf32, #tpu.memory_space<hbm>>) target_semaphore(%run_scoped3A : memref<!tpu.dma_semaphore, #tpu.memory_space<semaphore_mem>>)
      %dma_wait3A_20 = arith.constant 0 : i32
      %dma_wait3A_21 = tpu.memref_slice %arg4[%mul3A_16, %dma_wait3A_20] : memref<163840x16xf32, #tpu.memory_space<hbm>> -> memref<5120x16xf32, #tpu.memory_space<hbm>>
      %dma_wait3A_22 = arith.constant 0 : i32
      %dma_wait3A_23 = tpu.memref_slice %arg4[%mul3A_16, %dma_wait3A_22] : memref<163840x16xf32, #tpu.memory_space<hbm>> -> memref<5120x16xf32, #tpu.memory_space<hbm>>
      tpu.wait_dma2 semaphore(%run_scoped3A : memref<!tpu.dma_semaphore, #tpu.memory_space<semaphore_mem>>) src(%arg6 : memref<5120x16xf32, #tpu.memory_space<vmem>>) dst(%dma_wait3A_23 : memref<5120x16xf32, #tpu.memory_space<hbm>>)
      tpu.yield
    }) : () -> ()
    return
  }
}

#map = affine_map<(d0, d1) -> (0, 0)>
#map1 = affine_map<(d0, d1) -> (0, 0, 0)>
module attributes {stable_mosaic.version = 14 : i64} {
  func.func @scatter_k(%arg0: i32, %arg1: i32, %arg2: memref<163840x16xf32, #tpu.memory_space<hbm>>, %arg3: memref<2560x128xi32, #tpu.memory_space<hbm>>, %arg4: memref<10000x16xf32, #tpu.memory_space<hbm>>, %arg5: memref<2x10000x16xf32, #tpu.memory_space<hbm>>, %arg6: memref<40x128xi32, #tpu.memory_space<vmem>>, %arg7: memref<5120x16xf32, #tpu.memory_space<vmem>>, %arg8: memref<10000x16xf32, #tpu.memory_space<vmem_shared>>, %arg9: memref<!tpu.dma_semaphore, #tpu.memory_space<semaphore_mem>>) attributes {dimension_semantics = [#tpu.dimension_semantics<core_parallel>, #tpu.dimension_semantics<subcore_parallel>], iteration_bounds = array<i64: 2, 16>, scalar_prefetch = 0 : i64, scratch_operands = 4 : i64, tpu.core_type = #tpu.core_type<sc_vector_subcore>, window_params = [{transform_indices = #map}, {transform_indices = #map}, {transform_indices = #map}, {transform_indices = #map1}]} {
    %mul3A = arith.constant 2 : i32
    %mul3A_0 = arith.muli %arg1, %mul3A : i32
    %add3A = arith.addi %mul3A_0, %arg0 : i32
    %eq3A = arith.constant 0 : i32
    %eq3A_1 = arith.cmpi eq, %arg1, %eq3A : i32
    %convert_element_type3A = arith.extui %eq3A_1 : i1 to i32
    %cond3A = arith.constant 0 : i32
    %cond3A_2 = arith.cmpi ne, %convert_element_type3A, %cond3A : i32
    scf.if %cond3A_2 {
      "tpu.region"() ({
        %run_scoped3A = tpu.sem_alloc : memref<!tpu.dma_semaphore, #tpu.memory_space<semaphore_mem>>
        tpu.enqueue_dma source(%arg4 : memref<10000x16xf32, #tpu.memory_space<hbm>>) target(%arg8 : memref<10000x16xf32, #tpu.memory_space<vmem_shared>>) target_semaphore(%run_scoped3A : memref<!tpu.dma_semaphore, #tpu.memory_space<semaphore_mem>>)
        tpu.wait_dma2 semaphore(%run_scoped3A : memref<!tpu.dma_semaphore, #tpu.memory_space<semaphore_mem>>) src(%arg4 : memref<10000x16xf32, #tpu.memory_space<hbm>>) dst(%arg8 : memref<10000x16xf32, #tpu.memory_space<vmem_shared>>)
        tpu.yield
      }) : () -> ()
    } else {
    }
    %mul3A_3 = arith.constant 40 : i32
    %mul3A_4 = arith.muli %add3A, %mul3A_3 : i32
    %add3A_5 = arith.constant 1280 : i32
    %add3A_6 = arith.addi %add3A_5, %mul3A_4 : i32
    "tpu.region"() ({
      %run_scoped3A = tpu.sem_alloc : memref<!tpu.dma_semaphore, #tpu.memory_space<semaphore_mem>>
      %dma_start3A = arith.constant 0 : i32
      %dma_start3A_19 = tpu.memref_slice %arg3[%add3A_6, %dma_start3A] : memref<2560x128xi32, #tpu.memory_space<hbm>> -> memref<40x128xi32, #tpu.memory_space<hbm>>
      %dma_start3A_20 = arith.constant 0 : i32
      %dma_start3A_21 = tpu.memref_slice %arg3[%add3A_6, %dma_start3A_20] : memref<2560x128xi32, #tpu.memory_space<hbm>> -> memref<40x128xi32, #tpu.memory_space<hbm>>
      tpu.enqueue_dma source(%dma_start3A_21 : memref<40x128xi32, #tpu.memory_space<hbm>>) target(%arg6 : memref<40x128xi32, #tpu.memory_space<vmem>>) target_semaphore(%run_scoped3A : memref<!tpu.dma_semaphore, #tpu.memory_space<semaphore_mem>>)
      %dma_wait3A = arith.constant 0 : i32
      %dma_wait3A_22 = tpu.memref_slice %arg3[%add3A_6, %dma_wait3A] : memref<2560x128xi32, #tpu.memory_space<hbm>> -> memref<40x128xi32, #tpu.memory_space<hbm>>
      %dma_wait3A_23 = arith.constant 0 : i32
      %dma_wait3A_24 = tpu.memref_slice %arg3[%add3A_6, %dma_wait3A_23] : memref<2560x128xi32, #tpu.memory_space<hbm>> -> memref<40x128xi32, #tpu.memory_space<hbm>>
      tpu.wait_dma2 semaphore(%run_scoped3A : memref<!tpu.dma_semaphore, #tpu.memory_space<semaphore_mem>>) src(%dma_wait3A_24 : memref<40x128xi32, #tpu.memory_space<hbm>>) dst(%arg6 : memref<40x128xi32, #tpu.memory_space<vmem>>)
      tpu.yield
    }) : () -> ()
    %mul3A_7 = arith.constant 5120 : i32
    %mul3A_8 = arith.muli %add3A, %mul3A_7 : i32
    "tpu.region"() ({
      %run_scoped3A = tpu.sem_alloc : memref<!tpu.dma_semaphore, #tpu.memory_space<semaphore_mem>>
      %dma_start3A = arith.constant 0 : i32
      %dma_start3A_19 = tpu.memref_slice %arg2[%mul3A_8, %dma_start3A] : memref<163840x16xf32, #tpu.memory_space<hbm>> -> memref<5120x16xf32, #tpu.memory_space<hbm>>
      %dma_start3A_20 = arith.constant 0 : i32
      %dma_start3A_21 = tpu.memref_slice %arg2[%mul3A_8, %dma_start3A_20] : memref<163840x16xf32, #tpu.memory_space<hbm>> -> memref<5120x16xf32, #tpu.memory_space<hbm>>
      tpu.enqueue_dma source(%dma_start3A_21 : memref<5120x16xf32, #tpu.memory_space<hbm>>) target(%arg7 : memref<5120x16xf32, #tpu.memory_space<vmem>>) target_semaphore(%run_scoped3A : memref<!tpu.dma_semaphore, #tpu.memory_space<semaphore_mem>>)
      %dma_wait3A = arith.constant 0 : i32
      %dma_wait3A_22 = tpu.memref_slice %arg2[%mul3A_8, %dma_wait3A] : memref<163840x16xf32, #tpu.memory_space<hbm>> -> memref<5120x16xf32, #tpu.memory_space<hbm>>
      %dma_wait3A_23 = arith.constant 0 : i32
      %dma_wait3A_24 = tpu.memref_slice %arg2[%mul3A_8, %dma_wait3A_23] : memref<163840x16xf32, #tpu.memory_space<hbm>> -> memref<5120x16xf32, #tpu.memory_space<hbm>>
      tpu.wait_dma2 semaphore(%run_scoped3A : memref<!tpu.dma_semaphore, #tpu.memory_space<semaphore_mem>>) src(%dma_wait3A_24 : memref<5120x16xf32, #tpu.memory_space<hbm>>) dst(%arg7 : memref<5120x16xf32, #tpu.memory_space<vmem>>)
      tpu.yield
    }) : () -> ()
    %barrier3A = arith.constant 0 : index
    tpu.barrier barrier_id(%barrier3A)
    %scan3A = arith.constant 0 : i32
    %scan3A_9 = arith.constant 0 : i32
    %scan3A_10 = arith.constant 40 : i32
    %scan3A_11 = arith.addi %scan3A_9, %scan3A_10 : i32
    %scan3A_12 = arith.constant 1 : i32
    scf.for %scan3A_19 = %scan3A_9 to %scan3A_11 step %scan3A_12  : i32 {
      %mul3A_20 = arith.constant 128 : i32
      %mul3A_21 = arith.muli %scan3A_19, %mul3A_20 : i32
      "tpu.region"() ({
        %run_scoped3A = tpu.sem_alloc : memref<!tpu.dma_semaphore, #tpu.memory_space<semaphore_mem>>
        %dma_start3A = arith.constant 0 : i32
        %dma_start3A_22 = tpu.memref_slice %arg7[%mul3A_21, %dma_start3A] : memref<5120x16xf32, #tpu.memory_space<vmem>> -> memref<128x16xf32, #tpu.memory_space<vmem>>
        %dma_start3A_23 = arith.constant 0 : i32
        %dma_start3A_24 = tpu.memref_slice %arg6[%scan3A_19, %dma_start3A_23] : memref<40x128xi32, #tpu.memory_space<vmem>> -> memref<1x128xi32, #tpu.memory_space<vmem>>
        %dma_start3A_25 = tpu.memref_squeeze %dma_start3A_24 : memref<1x128xi32, #tpu.memory_space<vmem>> -> memref<128xi32, #tpu.memory_space<vmem>>
        %dma_start3A_26 = arith.constant 0 : i32
        %dma_start3A_27 = arith.constant 0 : i32
        %dma_start3A_28 = tpu.memref_slice %arg8[%dma_start3A_26, %dma_start3A_27] : memref<10000x16xf32, #tpu.memory_space<vmem_shared>> -> memref<10000x16xf32, #tpu.memory_space<vmem_shared>>
        tpu.enqueue_indirect_dma source(%dma_start3A_22 : memref<128x16xf32, #tpu.memory_space<vmem>>) target(%dma_start3A_28 : memref<10000x16xf32, #tpu.memory_space<vmem_shared>>) offsets(%dma_start3A_25 : memref<128xi32, #tpu.memory_space<vmem>>) semaphore(%run_scoped3A : memref<!tpu.dma_semaphore, #tpu.memory_space<semaphore_mem>>) {add = true}
        %dma_wait3A = arith.constant 0 : i32
        %dma_wait3A_29 = tpu.memref_slice %arg7[%mul3A_21, %dma_wait3A] : memref<5120x16xf32, #tpu.memory_space<vmem>> -> memref<128x16xf32, #tpu.memory_space<vmem>>
        %dma_wait3A_30 = arith.constant 0 : i32
        %dma_wait3A_31 = tpu.memref_slice %arg6[%scan3A_19, %dma_wait3A_30] : memref<40x128xi32, #tpu.memory_space<vmem>> -> memref<1x128xi32, #tpu.memory_space<vmem>>
        %dma_wait3A_32 = tpu.memref_squeeze %dma_wait3A_31 : memref<1x128xi32, #tpu.memory_space<vmem>> -> memref<128xi32, #tpu.memory_space<vmem>>
        %dma_wait3A_33 = arith.constant 0 : i32
        %dma_wait3A_34 = arith.constant 0 : i32
        %dma_wait3A_35 = tpu.memref_slice %arg8[%dma_wait3A_33, %dma_wait3A_34] : memref<10000x16xf32, #tpu.memory_space<vmem_shared>> -> memref<10000x16xf32, #tpu.memory_space<vmem_shared>>
        tpu.wait_indirect_dma semaphore(%run_scoped3A : memref<!tpu.dma_semaphore, #tpu.memory_space<semaphore_mem>>) src(%dma_wait3A_29 : memref<128x16xf32, #tpu.memory_space<vmem>>) dst(%dma_wait3A_35 : memref<10000x16xf32, #tpu.memory_space<vmem_shared>>)
        tpu.yield
      }) : () -> ()
    }
    %scan3A_13 = arith.constant 40 : i32
    %barrier3A_14 = arith.constant 0 : index
    tpu.barrier barrier_id(%barrier3A_14)
    %mul3A_15 = arith.constant 625 : i32
    %mul3A_16 = arith.muli %arg1, %mul3A_15 : i32
    %mul3A_17 = arith.constant 625 : i32
    %mul3A_18 = arith.muli %arg1, %mul3A_17 : i32
    "tpu.region"() ({
      %run_scoped3A = tpu.sem_alloc : memref<!tpu.dma_semaphore, #tpu.memory_space<semaphore_mem>>
      %dma_start3A = arith.constant 0 : i32
      %dma_start3A_19 = arith.constant 0 : i32
      %dma_start3A_20 = tpu.memref_slice %arg5[%arg0, %dma_start3A, %dma_start3A_19] : memref<2x10000x16xf32, #tpu.memory_space<hbm>> -> memref<1x10000x16xf32, #tpu.memory_space<hbm>>
      %dma_start3A_21 = tpu.memref_squeeze %dma_start3A_20 : memref<1x10000x16xf32, #tpu.memory_space<hbm>> -> memref<10000x16xf32, #tpu.memory_space<hbm>>
      %dma_start3A_22 = arith.constant 0 : i32
      %dma_start3A_23 = tpu.memref_slice %dma_start3A_21[%mul3A_18, %dma_start3A_22] : memref<10000x16xf32, #tpu.memory_space<hbm>> -> memref<625x16xf32, #tpu.memory_space<hbm>>
      %dma_start3A_24 = arith.constant 0 : i32
      %dma_start3A_25 = tpu.memref_slice %arg8[%mul3A_16, %dma_start3A_24] : memref<10000x16xf32, #tpu.memory_space<vmem_shared>> -> memref<625x16xf32, #tpu.memory_space<vmem_shared>>
      tpu.enqueue_dma source(%dma_start3A_25 : memref<625x16xf32, #tpu.memory_space<vmem_shared>>) target(%dma_start3A_23 : memref<625x16xf32, #tpu.memory_space<hbm>>) target_semaphore(%run_scoped3A : memref<!tpu.dma_semaphore, #tpu.memory_space<semaphore_mem>>)
      %dma_wait3A = arith.constant 0 : i32
      %dma_wait3A_26 = arith.constant 0 : i32
      %dma_wait3A_27 = tpu.memref_slice %arg5[%arg0, %dma_wait3A, %dma_wait3A_26] : memref<2x10000x16xf32, #tpu.memory_space<hbm>> -> memref<1x10000x16xf32, #tpu.memory_space<hbm>>
      %dma_wait3A_28 = tpu.memref_squeeze %dma_wait3A_27 : memref<1x10000x16xf32, #tpu.memory_space<hbm>> -> memref<10000x16xf32, #tpu.memory_space<hbm>>
      %dma_wait3A_29 = arith.constant 0 : i32
      %dma_wait3A_30 = tpu.memref_slice %dma_wait3A_28[%mul3A_18, %dma_wait3A_29] : memref<10000x16xf32, #tpu.memory_space<hbm>> -> memref<625x16xf32, #tpu.memory_space<hbm>>
      %dma_wait3A_31 = arith.constant 0 : i32
      %dma_wait3A_32 = tpu.memref_slice %arg8[%mul3A_16, %dma_wait3A_31] : memref<10000x16xf32, #tpu.memory_space<vmem_shared>> -> memref<625x16xf32, #tpu.memory_space<vmem_shared>>
      tpu.wait_dma2 semaphore(%run_scoped3A : memref<!tpu.dma_semaphore, #tpu.memory_space<semaphore_mem>>) src(%dma_wait3A_32 : memref<625x16xf32, #tpu.memory_space<vmem_shared>>) dst(%dma_wait3A_30 : memref<625x16xf32, #tpu.memory_space<hbm>>)
      tpu.yield
    }) : () -> ()
    return
  }
}

module attributes {stable_mosaic.version = 14 : i64} {
  func.func @_pre_body(%arg0: memref<10000x128xf32, #tpu.memory_space<vmem>>, %arg1: memref<1x128xf32, #tpu.memory_space<vmem>>, %arg2: memref<1x128xf32, #tpu.memory_space<vmem>>, %arg3: memref<128x16xf32, #tpu.memory_space<vmem>>, %arg4: memref<1x16xf32, #tpu.memory_space<vmem>>, %arg5: memref<10000x16xf32, #tpu.memory_space<vmem>>) attributes {dimension_semantics = [], scalar_prefetch = 0 : i64, scratch_operands = 0 : i64, tpu.core_type = #tpu.core_type<tc>} {
    %get3A = arith.constant 0 : index
    %get3A_0 = arith.constant 0 : index
    %get3A_1 = vector.load %arg0[%get3A, %get3A_0] : memref<10000x128xf32, #tpu.memory_space<vmem>>, vector<10000x128xf32>
    %reduce_sum3A = arith.constant dense<0.000000e+00> : vector<128xf32>
    %reduce_sum3A_2 = vector.multi_reduction <add>, %get3A_1, %reduce_sum3A [0] : vector<10000x128xf32> to vector<128xf32>
    %broadcast_in_dim3A = vector.shape_cast %reduce_sum3A_2 : vector<128xf32> to vector<1x128xf32>
    %div3A = arith.constant 1.000000e+04 : f32
    %div3A_3 = vector.broadcast %div3A : f32 to vector<1x128xf32>
    %div3A_4 = arith.divf %broadcast_in_dim3A, %div3A_3 : vector<1x128xf32>
    %sub3A = vector.broadcast %div3A_4 : vector<1x128xf32> to vector<10000x128xf32>
    %sub3A_5 = arith.subf %get3A_1, %sub3A : vector<10000x128xf32>
    %mul3A = arith.mulf %sub3A_5, %sub3A_5 : vector<10000x128xf32>
    %reduce_sum3A_6 = arith.constant dense<0.000000e+00> : vector<128xf32>
    %reduce_sum3A_7 = vector.multi_reduction <add>, %mul3A, %reduce_sum3A_6 [0] : vector<10000x128xf32> to vector<128xf32>
    %broadcast_in_dim3A_8 = vector.shape_cast %reduce_sum3A_7 : vector<128xf32> to vector<1x128xf32>
    %div3A_9 = arith.constant 1.000000e+04 : f32
    %div3A_10 = vector.broadcast %div3A_9 : f32 to vector<1x128xf32>
    %div3A_11 = arith.divf %broadcast_in_dim3A_8, %div3A_10 : vector<1x128xf32>
    %get3A_12 = arith.constant 0 : index
    %get3A_13 = arith.constant 0 : index
    %get3A_14 = vector.load %arg1[%get3A_12, %get3A_13] : memref<1x128xf32, #tpu.memory_space<vmem>>, vector<1x128xf32>
    %add3A = arith.constant 9.99999974E-6 : f32
    %add3A_15 = vector.broadcast %add3A : f32 to vector<1x128xf32>
    %add3A_16 = arith.addf %div3A_11, %add3A_15 : vector<1x128xf32>
    %rsqrt3A = math.rsqrt %add3A_16 : vector<1x128xf32>
    %mul3A_17 = arith.mulf %get3A_14, %rsqrt3A : vector<1x128xf32>
    %mul3A_18 = vector.broadcast %mul3A_17 : vector<1x128xf32> to vector<10000x128xf32>
    %mul3A_19 = arith.mulf %sub3A_5, %mul3A_18 : vector<10000x128xf32>
    %get3A_20 = arith.constant 0 : index
    %get3A_21 = arith.constant 0 : index
    %get3A_22 = vector.load %arg2[%get3A_20, %get3A_21] : memref<1x128xf32, #tpu.memory_space<vmem>>, vector<1x128xf32>
    %add3A_23 = vector.broadcast %get3A_22 : vector<1x128xf32> to vector<10000x128xf32>
    %add3A_24 = arith.addf %mul3A_19, %add3A_23 : vector<10000x128xf32>
    %max3A = arith.constant 0.000000e+00 : f32
    %max3A_25 = vector.broadcast %max3A : f32 to vector<10000x128xf32>
    %max3A_26 = arith.maximumf %add3A_24, %max3A_25 : vector<10000x128xf32>
    %get3A_27 = arith.constant 0 : index
    %get3A_28 = arith.constant 0 : index
    %get3A_29 = vector.load %arg3[%get3A_27, %get3A_28] : memref<128x16xf32, #tpu.memory_space<vmem>>, vector<128x16xf32>
    %dot_general3A = arith.constant dense<0.000000e+00> : vector<10000x16xf32>
    %dot_general3A_30 = tpu.matmul %max3A_26, %get3A_29, %dot_general3A {dimension_numbers = #tpu.dot_dimension_numbers<[1], [0], [0], [1], [0, 0, 1, 1], [], []>, transpose_lhs_hint = false} : vector<10000x128xf32>, vector<128x16xf32>, vector<10000x16xf32> -> vector<10000x16xf32>
    %get3A_31 = arith.constant 0 : index
    %get3A_32 = arith.constant 0 : index
    %get3A_33 = vector.load %arg4[%get3A_31, %get3A_32] : memref<1x16xf32, #tpu.memory_space<vmem>>, vector<1x16xf32>
    %add3A_34 = vector.broadcast %get3A_33 : vector<1x16xf32> to vector<10000x16xf32>
    %add3A_35 = arith.addf %dot_general3A_30, %add3A_34 : vector<10000x16xf32>
    %swap3A = arith.constant 0 : index
    %swap3A_36 = arith.constant 0 : index
    %swap3A_37 = vector.load %arg5[%swap3A, %swap3A_36] : memref<10000x16xf32, #tpu.memory_space<vmem>>, vector<10000x16xf32>
    tpu.vector_store %arg5[%swap3A, %swap3A_36], %add3A_35 {strides = array<i32>} : memref<10000x16xf32, #tpu.memory_space<vmem>>, vector<10000x16xf32>,
    return
  }
}

module attributes {stable_mosaic.version = 14 : i64} {
  func.func @_stats_body(%arg0: i32, %arg1: memref<1024x128xf32, #tpu.memory_space<vmem>>, %arg2: memref<16x2xf32, #tpu.memory_space<vmem>>) attributes {dimension_semantics = [#tpu.dimension_semantics<arbitrary>], iteration_bounds = array<i64: 20>, scalar_prefetch = 0 : i64, scratch_operands = 0 : i64, tpu.core_type = #tpu.core_type<tc>, window_params = [{transform_indices = @transform_0, window_bounds = array<i64: 1024, 128>}, {pipeline_mode = #tpu.pipeline_mode<synchronous>, transform_indices = @transform_1, window_bounds = array<i64: 16, 2>}]} {
    %eq3A = arith.constant 0 : i32
    %eq3A_0 = arith.cmpi eq, %arg0, %eq3A : i32
    %convert_element_type3A = arith.extui %eq3A_0 : i1 to i32
    %cond3A = arith.constant 0 : i32
    %cond3A_1 = arith.cmpi ne, %convert_element_type3A, %cond3A : i32
    scf.if %cond3A_1 {
      %broadcast_in_dim3A_81 = arith.constant 0.000000e+00 : f32
      %broadcast_in_dim3A_82 = vector.broadcast %broadcast_in_dim3A_81 : f32 to vector<16x2xf32>
      %swap3A_83 = arith.constant 0 : index
      %swap3A_84 = arith.constant 0 : index
      %swap3A_85 = vector.load %arg2[%swap3A_83, %swap3A_84] : memref<16x2xf32, #tpu.memory_space<vmem>>, vector<16x2xf32>
      tpu.vector_store %arg2[%swap3A_83, %swap3A_84], %broadcast_in_dim3A_82 {strides = array<i32>} : memref<16x2xf32, #tpu.memory_space<vmem>>, vector<16x2xf32>,
    } else {
    }
    %get3A = arith.constant 0 : index
    %get3A_2 = arith.constant 0 : index
    %get3A_3 = vector.load %arg1[%get3A, %get3A_2] : memref<1024x128xf32, #tpu.memory_space<vmem>>, vector<1024x128xf32>
    %transpose3A = tpu.transpose %get3A_3, [1, 0] : vector<1024x128xf32> -> vector<128x1024xf32>
    %mul3A = arith.constant 8 : i32
    %mul3A_4 = arith.muli %arg0, %mul3A : i32
    %mul3A_5 = arith.constant 1024 : i32
    %mul3A_6 = arith.muli %mul3A_4, %mul3A_5 : i32
    %iota3A = tpu.iota {dimensions = array<i32: 0>} : vector<128x1024xi32>
    %jit3A = arith.constant 16 : i32
    %div3A = vector.broadcast %jit3A : i32 to vector<128x1024xi32>
    %div3A_7 = arith.divsi %iota3A, %div3A : vector<128x1024xi32>
    %sign3A = arith.constant 0 : i32
    %sign3A_8 = vector.broadcast %sign3A : i32 to vector<128x1024xi32>
    %sign3A_9 = arith.cmpi sgt, %iota3A, %sign3A_8 : vector<128x1024xi32>
    %sign3A_10 = arith.extui %sign3A_9 : vector<128x1024xi1> to vector<128x1024xi32>
    %sign3A_11 = arith.constant 0 : i32
    %sign3A_12 = vector.broadcast %sign3A_11 : i32 to vector<128x1024xi32>
    %sign3A_13 = arith.cmpi slt, %iota3A, %sign3A_12 : vector<128x1024xi32>
    %sign3A_14 = arith.extui %sign3A_13 : vector<128x1024xi1> to vector<128x1024xi32>
    %sign3A_15 = arith.subi %sign3A_10, %sign3A_14 : vector<128x1024xi32>
    %sign3A_16 = arith.constant 0 : i32
    %sign3A_17 = arith.cmpi sgt, %jit3A, %sign3A_16 : i32
    %sign3A_18 = arith.extui %sign3A_17 : i1 to i32
    %sign3A_19 = arith.constant 0 : i32
    %sign3A_20 = arith.cmpi slt, %jit3A, %sign3A_19 : i32
    %sign3A_21 = arith.extui %sign3A_20 : i1 to i32
    %sign3A_22 = arith.subi %sign3A_18, %sign3A_21 : i32
    %ne3A = vector.broadcast %sign3A_22 : i32 to vector<128x1024xi32>
    %ne3A_23 = arith.cmpi ne, %sign3A_15, %ne3A : vector<128x1024xi32>
    %rem3A = vector.broadcast %jit3A : i32 to vector<128x1024xi32>
    %rem3A_24 = arith.remsi %iota3A, %rem3A : vector<128x1024xi32>
    %ne3A_25 = arith.constant 0 : i32
    %ne3A_26 = vector.broadcast %ne3A_25 : i32 to vector<128x1024xi32>
    %ne3A_27 = arith.cmpi ne, %rem3A_24, %ne3A_26 : vector<128x1024xi32>
    %and3A = arith.andi %ne3A_23, %ne3A_27 : vector<128x1024xi1>
    %sub3A = arith.constant 1 : i32
    %sub3A_28 = vector.broadcast %sub3A : i32 to vector<128x1024xi32>
    %sub3A_29 = arith.subi %div3A_7, %sub3A_28 : vector<128x1024xi32>
    %select_n3A = arith.select %and3A, %sub3A_29, %div3A_7 : vector<128x1024xi1>, vector<128x1024xi32>
    %mul3A_30 = arith.constant 1024 : i32
    %mul3A_31 = vector.broadcast %mul3A_30 : i32 to vector<128x1024xi32>
    %mul3A_32 = arith.muli %select_n3A, %mul3A_31 : vector<128x1024xi32>
    %add3A = vector.broadcast %mul3A_6 : i32 to vector<128x1024xi32>
    %add3A_33 = arith.addi %add3A, %mul3A_32 : vector<128x1024xi32>
    %iota3A_34 = tpu.iota {dimensions = array<i32: 1>} : vector<128x1024xi32>
    %add3A_35 = arith.addi %add3A_33, %iota3A_34 : vector<128x1024xi32>
    %lt3A = arith.constant 160000 : i32
    %lt3A_36 = vector.broadcast %lt3A : i32 to vector<128x1024xi32>
    %lt3A_37 = arith.cmpi slt, %add3A_35, %lt3A_36 : vector<128x1024xi32>
    %jit3A_38 = arith.constant 0.000000e+00 : f32
    %broadcast_in_dim3A = vector.broadcast %jit3A_38 : f32 to vector<128x1024xf32>
    %select_n3A_39 = arith.select %lt3A_37, %transpose3A, %broadcast_in_dim3A : vector<128x1024xi1>, vector<128x1024xf32>
    %reduce_sum3A = arith.constant dense<0.000000e+00> : vector<128xf32>
    %reduce_sum3A_40 = vector.multi_reduction <add>, %select_n3A_39, %reduce_sum3A [1] : vector<128x1024xf32> to vector<128xf32>
    %broadcast_in_dim3A_41 = vector.shape_cast %reduce_sum3A_40 : vector<128xf32> to vector<128x1xf32>
    %mul3A_42 = arith.mulf %select_n3A_39, %select_n3A_39 : vector<128x1024xf32>
    %reduce_sum3A_43 = arith.constant dense<0.000000e+00> : vector<128xf32>
    %reduce_sum3A_44 = vector.multi_reduction <add>, %mul3A_42, %reduce_sum3A_43 [1] : vector<128x1024xf32> to vector<128xf32>
    %broadcast_in_dim3A_45 = vector.shape_cast %reduce_sum3A_44 : vector<128xf32> to vector<128x1xf32>
    %slice3A = vector.extract_strided_slice %broadcast_in_dim3A_41 {offsets = [0, 0], sizes = [16, 1], strides = [1, 1]} : vector<128x1xf32> to vector<16x1xf32>
    %slice3A_46 = vector.extract_strided_slice %broadcast_in_dim3A_45 {offsets = [0, 0], sizes = [16, 1], strides = [1, 1]} : vector<128x1xf32> to vector<16x1xf32>
    %slice3A_47 = vector.extract_strided_slice %broadcast_in_dim3A_41 {offsets = [16, 0], sizes = [16, 1], strides = [1, 1]} : vector<128x1xf32> to vector<16x1xf32>
    %add3A_48 = arith.addf %slice3A, %slice3A_47 : vector<16x1xf32>
    %slice3A_49 = vector.extract_strided_slice %broadcast_in_dim3A_45 {offsets = [16, 0], sizes = [16, 1], strides = [1, 1]} : vector<128x1xf32> to vector<16x1xf32>
    %add3A_50 = arith.addf %slice3A_46, %slice3A_49 : vector<16x1xf32>
    %slice3A_51 = vector.extract_strided_slice %broadcast_in_dim3A_41 {offsets = [32, 0], sizes = [16, 1], strides = [1, 1]} : vector<128x1xf32> to vector<16x1xf32>
    %add3A_52 = arith.addf %add3A_48, %slice3A_51 : vector<16x1xf32>
    %slice3A_53 = vector.extract_strided_slice %broadcast_in_dim3A_45 {offsets = [32, 0], sizes = [16, 1], strides = [1, 1]} : vector<128x1xf32> to vector<16x1xf32>
    %add3A_54 = arith.addf %add3A_50, %slice3A_53 : vector<16x1xf32>
    %slice3A_55 = vector.extract_strided_slice %broadcast_in_dim3A_41 {offsets = [48, 0], sizes = [16, 1], strides = [1, 1]} : vector<128x1xf32> to vector<16x1xf32>
    %add3A_56 = arith.addf %add3A_52, %slice3A_55 : vector<16x1xf32>
    %slice3A_57 = vector.extract_strided_slice %broadcast_in_dim3A_45 {offsets = [48, 0], sizes = [16, 1], strides = [1, 1]} : vector<128x1xf32> to vector<16x1xf32>
    %add3A_58 = arith.addf %add3A_54, %slice3A_57 : vector<16x1xf32>
    %slice3A_59 = vector.extract_strided_slice %broadcast_in_dim3A_41 {offsets = [64, 0], sizes = [16, 1], strides = [1, 1]} : vector<128x1xf32> to vector<16x1xf32>
    %add3A_60 = arith.addf %add3A_56, %slice3A_59 : vector<16x1xf32>
    %slice3A_61 = vector.extract_strided_slice %broadcast_in_dim3A_45 {offsets = [64, 0], sizes = [16, 1], strides = [1, 1]} : vector<128x1xf32> to vector<16x1xf32>
    %add3A_62 = arith.addf %add3A_58, %slice3A_61 : vector<16x1xf32>
    %slice3A_63 = vector.extract_strided_slice %broadcast_in_dim3A_41 {offsets = [80, 0], sizes = [16, 1], strides = [1, 1]} : vector<128x1xf32> to vector<16x1xf32>
    %add3A_64 = arith.addf %add3A_60, %slice3A_63 : vector<16x1xf32>
    %slice3A_65 = vector.extract_strided_slice %broadcast_in_dim3A_45 {offsets = [80, 0], sizes = [16, 1], strides = [1, 1]} : vector<128x1xf32> to vector<16x1xf32>
    %add3A_66 = arith.addf %add3A_62, %slice3A_65 : vector<16x1xf32>
    %slice3A_67 = vector.extract_strided_slice %broadcast_in_dim3A_41 {offsets = [96, 0], sizes = [16, 1], strides = [1, 1]} : vector<128x1xf32> to vector<16x1xf32>
    %add3A_68 = arith.addf %add3A_64, %slice3A_67 : vector<16x1xf32>
    %slice3A_69 = vector.extract_strided_slice %broadcast_in_dim3A_45 {offsets = [96, 0], sizes = [16, 1], strides = [1, 1]} : vector<128x1xf32> to vector<16x1xf32>
    %add3A_70 = arith.addf %add3A_66, %slice3A_69 : vector<16x1xf32>
    %slice3A_71 = vector.extract_strided_slice %broadcast_in_dim3A_41 {offsets = [112, 0], sizes = [16, 1], strides = [1, 1]} : vector<128x1xf32> to vector<16x1xf32>
    %add3A_72 = arith.addf %add3A_68, %slice3A_71 : vector<16x1xf32>
    %slice3A_73 = vector.extract_strided_slice %broadcast_in_dim3A_45 {offsets = [112, 0], sizes = [16, 1], strides = [1, 1]} : vector<128x1xf32> to vector<16x1xf32>
    %add3A_74 = arith.addf %add3A_70, %slice3A_73 : vector<16x1xf32>
    %get3A_75 = arith.constant 0 : index
    %get3A_76 = arith.constant 0 : index
    %get3A_77 = vector.load %arg2[%get3A_75, %get3A_76] : memref<16x2xf32, #tpu.memory_space<vmem>>, vector<16x2xf32>
    %concatenate3A = tpu.concatenate %add3A_72, %add3A_74 in 1 : vector<16x1xf32>, vector<16x1xf32> -> vector<16x2xf32>
    %add3A_78 = arith.addf %get3A_77, %concatenate3A : vector<16x2xf32>
    %swap3A = arith.constant 0 : index
    %swap3A_79 = arith.constant 0 : index
    %swap3A_80 = vector.load %arg2[%swap3A, %swap3A_79] : memref<16x2xf32, #tpu.memory_space<vmem>>, vector<16x2xf32>
    tpu.vector_store %arg2[%swap3A, %swap3A_79], %add3A_78 {strides = array<i32>} : memref<16x2xf32, #tpu.memory_space<vmem>>, vector<16x2xf32>,
    return
  }
  func.func @transform_0(%arg0: i32) -> (i32, i32) {
    %c0_i32 = arith.constant 0 : i32
    %c0_i32_0 = arith.constant 0 : i32
    return %arg0, %c0_i32 : i32, i32
  }
  func.func @transform_1(%arg0: i32) -> (i32, i32) {
    %c0_i32 = arith.constant 0 : i32
    %c0_i32_0 = arith.constant 0 : i32
    %c0_i32_1 = arith.constant 0 : i32
    return %c0_i32, %c0_i32_0 : i32, i32
  }
}

module attributes {stable_mosaic.version = 14 : i64} {
  func.func @_edge_body(%arg0: i32, %arg1: memref<16x8192xf32, #tpu.memory_space<vmem>>, %arg2: memref<1024x128xf32, #tpu.memory_space<vmem>>, %arg3: memref<1x8192xf32, #tpu.memory_space<vmem>>, %arg4: memref<16x2xf32, #tpu.memory_space<vmem>>, %arg5: memref<16x1xf32, #tpu.memory_space<vmem>>, %arg6: memref<16x1xf32, #tpu.memory_space<vmem>>, %arg7: memref<32x16xf32, #tpu.memory_space<vmem>>, %arg8: memref<32x1xf32, #tpu.memory_space<vmem>>, %arg9: memref<272x32xf32, #tpu.memory_space<vmem>>, %arg10: memref<272x1xf32, #tpu.memory_space<vmem>>, %arg11: memref<1024x128xf32, #tpu.memory_space<vmem>>) attributes {dimension_semantics = [#tpu.dimension_semantics<arbitrary>], iteration_bounds = array<i64: 20>, scalar_prefetch = 0 : i64, scratch_operands = 0 : i64, tpu.core_type = #tpu.core_type<tc>, window_params = [{transform_indices = @transform_0, window_bounds = array<i64: 16, 8192>}, {transform_indices = @transform_1, window_bounds = array<i64: 1024, 128>}, {transform_indices = @transform_2, window_bounds = array<i64: 1, 8192>}, {pipeline_mode = #tpu.pipeline_mode<synchronous>, transform_indices = @transform_3, window_bounds = array<i64: 16, 2>}, {pipeline_mode = #tpu.pipeline_mode<synchronous>, transform_indices = @transform_4, window_bounds = array<i64: 16, 1>}, {pipeline_mode = #tpu.pipeline_mode<synchronous>, transform_indices = @transform_5, window_bounds = array<i64: 16, 1>}, {pipeline_mode = #tpu.pipeline_mode<synchronous>, transform_indices = @transform_6, window_bounds = array<i64: 32, 16>}, {pipeline_mode = #tpu.pipeline_mode<synchronous>, transform_indices = @transform_7, window_bounds = array<i64: 32, 1>}, {pipeline_mode = #tpu.pipeline_mode<synchronous>, transform_indices = @transform_8, window_bounds = array<i64: 272, 32>}, {pipeline_mode = #tpu.pipeline_mode<synchronous>, transform_indices = @transform_9, window_bounds = array<i64: 272, 1>}, {transform_indices = @transform_10, window_bounds = array<i64: 1024, 128>}]} {
    %get3A = arith.constant 0 : index
    %get3A_0 = arith.constant 0 : index
    %get3A_1 = vector.load %arg4[%get3A, %get3A_0] : memref<16x2xf32, #tpu.memory_space<vmem>>, vector<16x1xf32>
    %mul3A = arith.constant 6.250000e-06 : f32
    %mul3A_2 = vector.broadcast %mul3A : f32 to vector<16x1xf32>
    %mul3A_3 = arith.mulf %get3A_1, %mul3A_2 : vector<16x1xf32>
    %get3A_4 = arith.constant 0 : index
    %get3A_5 = arith.constant 1 : index
    %get3A_6 = vector.load %arg4[%get3A_4, %get3A_5] : memref<16x2xf32, #tpu.memory_space<vmem>>, vector<16x1xf32>
    %mul3A_7 = arith.constant 6.250000e-06 : f32
    %mul3A_8 = vector.broadcast %mul3A_7 : f32 to vector<16x1xf32>
    %mul3A_9 = arith.mulf %get3A_6, %mul3A_8 : vector<16x1xf32>
    %mul3A_10 = arith.mulf %mul3A_3, %mul3A_3 : vector<16x1xf32>
    %sub3A = arith.subf %mul3A_9, %mul3A_10 : vector<16x1xf32>
    %get3A_11 = arith.constant 0 : index
    %get3A_12 = arith.constant 0 : index
    %get3A_13 = vector.load %arg5[%get3A_11, %get3A_12] : memref<16x1xf32, #tpu.memory_space<vmem>>, vector<16x1xf32>
    %add3A = arith.constant 9.99999974E-6 : f32
    %add3A_14 = vector.broadcast %add3A : f32 to vector<16x1xf32>
    %add3A_15 = arith.addf %sub3A, %add3A_14 : vector<16x1xf32>
    %rsqrt3A = math.rsqrt %add3A_15 : vector<16x1xf32>
    %mul3A_16 = arith.mulf %get3A_13, %rsqrt3A : vector<16x1xf32>
    %get3A_17 = arith.constant 0 : index
    %get3A_18 = arith.constant 0 : index
    %get3A_19 = vector.load %arg6[%get3A_17, %get3A_18] : memref<16x1xf32, #tpu.memory_space<vmem>>, vector<16x1xf32>
    %mul3A_20 = arith.mulf %mul3A_3, %mul3A_16 : vector<16x1xf32>
    %sub3A_21 = arith.subf %get3A_19, %mul3A_20 : vector<16x1xf32>
    %get3A_22 = arith.constant 0 : index
    %get3A_23 = arith.constant 0 : index
    %get3A_24 = vector.load %arg2[%get3A_22, %get3A_23] : memref<1024x128xf32, #tpu.memory_space<vmem>>, vector<1024x128xf32>
    %transpose3A = tpu.transpose %get3A_24, [1, 0] : vector<1024x128xf32> -> vector<128x1024xf32>
    %slice3A = vector.extract_strided_slice %transpose3A {offsets = [0, 0], sizes = [16, 1024], strides = [1, 1]} : vector<128x1024xf32> to vector<16x1024xf32>
    %slice3A_25 = vector.extract_strided_slice %transpose3A {offsets = [16, 0], sizes = [16, 1024], strides = [1, 1]} : vector<128x1024xf32> to vector<16x1024xf32>
    %slice3A_26 = vector.extract_strided_slice %transpose3A {offsets = [32, 0], sizes = [16, 1024], strides = [1, 1]} : vector<128x1024xf32> to vector<16x1024xf32>
    %slice3A_27 = vector.extract_strided_slice %transpose3A {offsets = [48, 0], sizes = [16, 1024], strides = [1, 1]} : vector<128x1024xf32> to vector<16x1024xf32>
    %slice3A_28 = vector.extract_strided_slice %transpose3A {offsets = [64, 0], sizes = [16, 1024], strides = [1, 1]} : vector<128x1024xf32> to vector<16x1024xf32>
    %slice3A_29 = vector.extract_strided_slice %transpose3A {offsets = [80, 0], sizes = [16, 1024], strides = [1, 1]} : vector<128x1024xf32> to vector<16x1024xf32>
    %slice3A_30 = vector.extract_strided_slice %transpose3A {offsets = [96, 0], sizes = [16, 1024], strides = [1, 1]} : vector<128x1024xf32> to vector<16x1024xf32>
    %slice3A_31 = vector.extract_strided_slice %transpose3A {offsets = [112, 0], sizes = [16, 1024], strides = [1, 1]} : vector<128x1024xf32> to vector<16x1024xf32>
    %concatenate3A = tpu.concatenate %slice3A, %slice3A_25, %slice3A_26, %slice3A_27, %slice3A_28, %slice3A_29, %slice3A_30, %slice3A_31 in 1 : vector<16x1024xf32>, vector<16x1024xf32>, vector<16x1024xf32>, vector<16x1024xf32>, vector<16x1024xf32>, vector<16x1024xf32>, vector<16x1024xf32>, vector<16x1024xf32> -> vector<16x8192xf32>
    %mul3A_32 = vector.broadcast %mul3A_16 : vector<16x1xf32> to vector<16x8192xf32>
    %mul3A_33 = arith.mulf %concatenate3A, %mul3A_32 : vector<16x8192xf32>
    %add3A_34 = vector.broadcast %sub3A_21 : vector<16x1xf32> to vector<16x8192xf32>
    %add3A_35 = arith.addf %mul3A_33, %add3A_34 : vector<16x8192xf32>
    %max3A = arith.constant 0.000000e+00 : f32
    %max3A_36 = vector.broadcast %max3A : f32 to vector<16x8192xf32>
    %max3A_37 = arith.maximumf %add3A_35, %max3A_36 : vector<16x8192xf32>
    %get3A_38 = arith.constant 0 : index
    %get3A_39 = arith.constant 0 : index
    %get3A_40 = vector.load %arg7[%get3A_38, %get3A_39] : memref<32x16xf32, #tpu.memory_space<vmem>>, vector<32x16xf32>
    %get3A_41 = arith.constant 0 : index
    %get3A_42 = arith.constant 0 : index
    %get3A_43 = vector.load %arg1[%get3A_41, %get3A_42] : memref<16x8192xf32, #tpu.memory_space<vmem>>, vector<16x8192xf32>
    %dot_general3A = arith.constant dense<0.000000e+00> : vector<32x8192xf32>
    %dot_general3A_44 = tpu.matmul %get3A_40, %get3A_43, %dot_general3A {dimension_numbers = #tpu.dot_dimension_numbers<[1], [0], [0], [1], [0, 0, 1, 1], [], []>, transpose_lhs_hint = false} : vector<32x16xf32>, vector<16x8192xf32>, vector<32x8192xf32> -> vector<32x8192xf32>
    %get3A_45 = arith.constant 0 : index
    %get3A_46 = arith.constant 0 : index
    %get3A_47 = vector.load %arg8[%get3A_45, %get3A_46] : memref<32x1xf32, #tpu.memory_space<vmem>>, vector<32x1xf32>
    %add3A_48 = vector.broadcast %get3A_47 : vector<32x1xf32> to vector<32x8192xf32>
    %add3A_49 = arith.addf %dot_general3A_44, %add3A_48 : vector<32x8192xf32>
    %max3A_50 = arith.constant 0.000000e+00 : f32
    %max3A_51 = vector.broadcast %max3A_50 : f32 to vector<32x8192xf32>
    %max3A_52 = arith.maximumf %add3A_49, %max3A_51 : vector<32x8192xf32>
    %get3A_53 = arith.constant 0 : index
    %get3A_54 = arith.constant 0 : index
    %get3A_55 = vector.load %arg9[%get3A_53, %get3A_54] : memref<272x32xf32, #tpu.memory_space<vmem>>, vector<272x32xf32>
    %dot_general3A_56 = arith.constant dense<0.000000e+00> : vector<272x8192xf32>
    %dot_general3A_57 = tpu.matmul %get3A_55, %max3A_52, %dot_general3A_56 {dimension_numbers = #tpu.dot_dimension_numbers<[1], [0], [0], [1], [0, 0, 1, 1], [], []>, transpose_lhs_hint = false} : vector<272x32xf32>, vector<32x8192xf32>, vector<272x8192xf32> -> vector<272x8192xf32>
    %get3A_58 = arith.constant 0 : index
    %get3A_59 = arith.constant 0 : index
    %get3A_60 = vector.load %arg10[%get3A_58, %get3A_59] : memref<272x1xf32, #tpu.memory_space<vmem>>, vector<272x1xf32>
    %add3A_61 = vector.broadcast %get3A_60 : vector<272x1xf32> to vector<272x8192xf32>
    %add3A_62 = arith.addf %dot_general3A_57, %add3A_61 : vector<272x8192xf32>
    %slice3A_63 = vector.extract_strided_slice %add3A_62 {offsets = [0, 0], sizes = [16, 8192], strides = [1, 1]} : vector<272x8192xf32> to vector<16x8192xf32>
    %slice3A_64 = vector.extract_strided_slice %add3A_62 {offsets = [16, 0], sizes = [16, 8192], strides = [1, 1]} : vector<272x8192xf32> to vector<16x8192xf32>
    %slice3A_65 = vector.extract_strided_slice %max3A_37 {offsets = [0, 0], sizes = [1, 8192], strides = [1, 1]} : vector<16x8192xf32> to vector<1x8192xf32>
    %mul3A_66 = vector.broadcast %slice3A_65 : vector<1x8192xf32> to vector<16x8192xf32>
    %mul3A_67 = arith.mulf %slice3A_64, %mul3A_66 : vector<16x8192xf32>
    %add3A_68 = arith.addf %slice3A_63, %mul3A_67 : vector<16x8192xf32>
    %slice3A_69 = vector.extract_strided_slice %add3A_62 {offsets = [32, 0], sizes = [16, 8192], strides = [1, 1]} : vector<272x8192xf32> to vector<16x8192xf32>
    %slice3A_70 = vector.extract_strided_slice %max3A_37 {offsets = [1, 0], sizes = [1, 8192], strides = [1, 1]} : vector<16x8192xf32> to vector<1x8192xf32>
    %mul3A_71 = vector.broadcast %slice3A_70 : vector<1x8192xf32> to vector<16x8192xf32>
    %mul3A_72 = arith.mulf %slice3A_69, %mul3A_71 : vector<16x8192xf32>
    %add3A_73 = arith.addf %add3A_68, %mul3A_72 : vector<16x8192xf32>
    %slice3A_74 = vector.extract_strided_slice %add3A_62 {offsets = [48, 0], sizes = [16, 8192], strides = [1, 1]} : vector<272x8192xf32> to vector<16x8192xf32>
    %slice3A_75 = vector.extract_strided_slice %max3A_37 {offsets = [2, 0], sizes = [1, 8192], strides = [1, 1]} : vector<16x8192xf32> to vector<1x8192xf32>
    %mul3A_76 = vector.broadcast %slice3A_75 : vector<1x8192xf32> to vector<16x8192xf32>
    %mul3A_77 = arith.mulf %slice3A_74, %mul3A_76 : vector<16x8192xf32>
    %add3A_78 = arith.addf %add3A_73, %mul3A_77 : vector<16x8192xf32>
    %slice3A_79 = vector.extract_strided_slice %add3A_62 {offsets = [64, 0], sizes = [16, 8192], strides = [1, 1]} : vector<272x8192xf32> to vector<16x8192xf32>
    %slice3A_80 = vector.extract_strided_slice %max3A_37 {offsets = [3, 0], sizes = [1, 8192], strides = [1, 1]} : vector<16x8192xf32> to vector<1x8192xf32>
    %mul3A_81 = vector.broadcast %slice3A_80 : vector<1x8192xf32> to vector<16x8192xf32>
    %mul3A_82 = arith.mulf %slice3A_79, %mul3A_81 : vector<16x8192xf32>
    %add3A_83 = arith.addf %add3A_78, %mul3A_82 : vector<16x8192xf32>
    %slice3A_84 = vector.extract_strided_slice %add3A_62 {offsets = [80, 0], sizes = [16, 8192], strides = [1, 1]} : vector<272x8192xf32> to vector<16x8192xf32>
    %slice3A_85 = vector.extract_strided_slice %max3A_37 {offsets = [4, 0], sizes = [1, 8192], strides = [1, 1]} : vector<16x8192xf32> to vector<1x8192xf32>
    %mul3A_86 = vector.broadcast %slice3A_85 : vector<1x8192xf32> to vector<16x8192xf32>
    %mul3A_87 = arith.mulf %slice3A_84, %mul3A_86 : vector<16x8192xf32>
    %add3A_88 = arith.addf %add3A_83, %mul3A_87 : vector<16x8192xf32>
    %slice3A_89 = vector.extract_strided_slice %add3A_62 {offsets = [96, 0], sizes = [16, 8192], strides = [1, 1]} : vector<272x8192xf32> to vector<16x8192xf32>
    %slice3A_90 = vector.extract_strided_slice %max3A_37 {offsets = [5, 0], sizes = [1, 8192], strides = [1, 1]} : vector<16x8192xf32> to vector<1x8192xf32>
    %mul3A_91 = vector.broadcast %slice3A_90 : vector<1x8192xf32> to vector<16x8192xf32>
    %mul3A_92 = arith.mulf %slice3A_89, %mul3A_91 : vector<16x8192xf32>
    %add3A_93 = arith.addf %add3A_88, %mul3A_92 : vector<16x8192xf32>
    %slice3A_94 = vector.extract_strided_slice %add3A_62 {offsets = [112, 0], sizes = [16, 8192], strides = [1, 1]} : vector<272x8192xf32> to vector<16x8192xf32>
    %slice3A_95 = vector.extract_strided_slice %max3A_37 {offsets = [6, 0], sizes = [1, 8192], strides = [1, 1]} : vector<16x8192xf32> to vector<1x8192xf32>
    %mul3A_96 = vector.broadcast %slice3A_95 : vector<1x8192xf32> to vector<16x8192xf32>
    %mul3A_97 = arith.mulf %slice3A_94, %mul3A_96 : vector<16x8192xf32>
    %add3A_98 = arith.addf %add3A_93, %mul3A_97 : vector<16x8192xf32>
    %slice3A_99 = vector.extract_strided_slice %add3A_62 {offsets = [128, 0], sizes = [16, 8192], strides = [1, 1]} : vector<272x8192xf32> to vector<16x8192xf32>
    %slice3A_100 = vector.extract_strided_slice %max3A_37 {offsets = [7, 0], sizes = [1, 8192], strides = [1, 1]} : vector<16x8192xf32> to vector<1x8192xf32>
    %mul3A_101 = vector.broadcast %slice3A_100 : vector<1x8192xf32> to vector<16x8192xf32>
    %mul3A_102 = arith.mulf %slice3A_99, %mul3A_101 : vector<16x8192xf32>
    %add3A_103 = arith.addf %add3A_98, %mul3A_102 : vector<16x8192xf32>
    %slice3A_104 = vector.extract_strided_slice %add3A_62 {offsets = [144, 0], sizes = [16, 8192], strides = [1, 1]} : vector<272x8192xf32> to vector<16x8192xf32>
    %slice3A_105 = vector.extract_strided_slice %max3A_37 {offsets = [8, 0], sizes = [1, 8192], strides = [1, 1]} : vector<16x8192xf32> to vector<1x8192xf32>
    %mul3A_106 = vector.broadcast %slice3A_105 : vector<1x8192xf32> to vector<16x8192xf32>
    %mul3A_107 = arith.mulf %slice3A_104, %mul3A_106 : vector<16x8192xf32>
    %add3A_108 = arith.addf %add3A_103, %mul3A_107 : vector<16x8192xf32>
    %slice3A_109 = vector.extract_strided_slice %add3A_62 {offsets = [160, 0], sizes = [16, 8192], strides = [1, 1]} : vector<272x8192xf32> to vector<16x8192xf32>
    %slice3A_110 = vector.extract_strided_slice %max3A_37 {offsets = [9, 0], sizes = [1, 8192], strides = [1, 1]} : vector<16x8192xf32> to vector<1x8192xf32>
    %mul3A_111 = vector.broadcast %slice3A_110 : vector<1x8192xf32> to vector<16x8192xf32>
    %mul3A_112 = arith.mulf %slice3A_109, %mul3A_111 : vector<16x8192xf32>
    %add3A_113 = arith.addf %add3A_108, %mul3A_112 : vector<16x8192xf32>
    %slice3A_114 = vector.extract_strided_slice %add3A_62 {offsets = [176, 0], sizes = [16, 8192], strides = [1, 1]} : vector<272x8192xf32> to vector<16x8192xf32>
    %slice3A_115 = vector.extract_strided_slice %max3A_37 {offsets = [10, 0], sizes = [1, 8192], strides = [1, 1]} : vector<16x8192xf32> to vector<1x8192xf32>
    %mul3A_116 = vector.broadcast %slice3A_115 : vector<1x8192xf32> to vector<16x8192xf32>
    %mul3A_117 = arith.mulf %slice3A_114, %mul3A_116 : vector<16x8192xf32>
    %add3A_118 = arith.addf %add3A_113, %mul3A_117 : vector<16x8192xf32>
    %slice3A_119 = vector.extract_strided_slice %add3A_62 {offsets = [192, 0], sizes = [16, 8192], strides = [1, 1]} : vector<272x8192xf32> to vector<16x8192xf32>
    %slice3A_120 = vector.extract_strided_slice %max3A_37 {offsets = [11, 0], sizes = [1, 8192], strides = [1, 1]} : vector<16x8192xf32> to vector<1x8192xf32>
    %mul3A_121 = vector.broadcast %slice3A_120 : vector<1x8192xf32> to vector<16x8192xf32>
    %mul3A_122 = arith.mulf %slice3A_119, %mul3A_121 : vector<16x8192xf32>
    %add3A_123 = arith.addf %add3A_118, %mul3A_122 : vector<16x8192xf32>
    %slice3A_124 = vector.extract_strided_slice %add3A_62 {offsets = [208, 0], sizes = [16, 8192], strides = [1, 1]} : vector<272x8192xf32> to vector<16x8192xf32>
    %slice3A_125 = vector.extract_strided_slice %max3A_37 {offsets = [12, 0], sizes = [1, 8192], strides = [1, 1]} : vector<16x8192xf32> to vector<1x8192xf32>
    %mul3A_126 = vector.broadcast %slice3A_125 : vector<1x8192xf32> to vector<16x8192xf32>
    %mul3A_127 = arith.mulf %slice3A_124, %mul3A_126 : vector<16x8192xf32>
    %add3A_128 = arith.addf %add3A_123, %mul3A_127 : vector<16x8192xf32>
    %slice3A_129 = vector.extract_strided_slice %add3A_62 {offsets = [224, 0], sizes = [16, 8192], strides = [1, 1]} : vector<272x8192xf32> to vector<16x8192xf32>
    %slice3A_130 = vector.extract_strided_slice %max3A_37 {offsets = [13, 0], sizes = [1, 8192], strides = [1, 1]} : vector<16x8192xf32> to vector<1x8192xf32>
    %mul3A_131 = vector.broadcast %slice3A_130 : vector<1x8192xf32> to vector<16x8192xf32>
    %mul3A_132 = arith.mulf %slice3A_129, %mul3A_131 : vector<16x8192xf32>
    %add3A_133 = arith.addf %add3A_128, %mul3A_132 : vector<16x8192xf32>
    %slice3A_134 = vector.extract_strided_slice %add3A_62 {offsets = [240, 0], sizes = [16, 8192], strides = [1, 1]} : vector<272x8192xf32> to vector<16x8192xf32>
    %slice3A_135 = vector.extract_strided_slice %max3A_37 {offsets = [14, 0], sizes = [1, 8192], strides = [1, 1]} : vector<16x8192xf32> to vector<1x8192xf32>
    %mul3A_136 = vector.broadcast %slice3A_135 : vector<1x8192xf32> to vector<16x8192xf32>
    %mul3A_137 = arith.mulf %slice3A_134, %mul3A_136 : vector<16x8192xf32>
    %add3A_138 = arith.addf %add3A_133, %mul3A_137 : vector<16x8192xf32>
    %slice3A_139 = vector.extract_strided_slice %add3A_62 {offsets = [256, 0], sizes = [16, 8192], strides = [1, 1]} : vector<272x8192xf32> to vector<16x8192xf32>
    %slice3A_140 = vector.extract_strided_slice %max3A_37 {offsets = [15, 0], sizes = [1, 8192], strides = [1, 1]} : vector<16x8192xf32> to vector<1x8192xf32>
    %mul3A_141 = vector.broadcast %slice3A_140 : vector<1x8192xf32> to vector<16x8192xf32>
    %mul3A_142 = arith.mulf %slice3A_139, %mul3A_141 : vector<16x8192xf32>
    %add3A_143 = arith.addf %add3A_138, %mul3A_142 : vector<16x8192xf32>
    %mul3A_144 = arith.constant 8192 : i32
    %mul3A_145 = arith.muli %arg0, %mul3A_144 : i32
    %iota3A = tpu.iota {dimensions = array<i32: 1>} : vector<16x8192xi32>
    %add3A_146 = vector.broadcast %mul3A_145 : i32 to vector<16x8192xi32>
    %add3A_147 = arith.addi %add3A_146, %iota3A : vector<16x8192xi32>
    %lt3A = arith.constant 160000 : i32
    %lt3A_148 = vector.broadcast %lt3A : i32 to vector<16x8192xi32>
    %lt3A_149 = arith.cmpi slt, %add3A_147, %lt3A_148 : vector<16x8192xi32>
    %get3A_150 = arith.constant 0 : index
    %get3A_151 = arith.constant 0 : index
    %get3A_152 = vector.load %arg3[%get3A_150, %get3A_151] : memref<1x8192xf32, #tpu.memory_space<vmem>>, vector<1x8192xf32>
    %mul3A_153 = vector.broadcast %get3A_152 : vector<1x8192xf32> to vector<16x8192xf32>
    %mul3A_154 = arith.mulf %add3A_143, %mul3A_153 : vector<16x8192xf32>
    %jit3A = arith.constant 0.000000e+00 : f32
    %broadcast_in_dim3A = vector.broadcast %jit3A : f32 to vector<16x8192xf32>
    %select_n3A = arith.select %lt3A_149, %mul3A_154, %broadcast_in_dim3A : vector<16x8192xi1>, vector<16x8192xf32>
    %slice3A_155 = vector.extract_strided_slice %select_n3A {offsets = [0, 0], sizes = [16, 1024], strides = [1, 1]} : vector<16x8192xf32> to vector<16x1024xf32>
    %slice3A_156 = vector.extract_strided_slice %select_n3A {offsets = [0, 1024], sizes = [16, 1024], strides = [1, 1]} : vector<16x8192xf32> to vector<16x1024xf32>
    %slice3A_157 = vector.extract_strided_slice %select_n3A {offsets = [0, 2048], sizes = [16, 1024], strides = [1, 1]} : vector<16x8192xf32> to vector<16x1024xf32>
    %slice3A_158 = vector.extract_strided_slice %select_n3A {offsets = [0, 3072], sizes = [16, 1024], strides = [1, 1]} : vector<16x8192xf32> to vector<16x1024xf32>
    %slice3A_159 = vector.extract_strided_slice %select_n3A {offsets = [0, 4096], sizes = [16, 1024], strides = [1, 1]} : vector<16x8192xf32> to vector<16x1024xf32>
    %slice3A_160 = vector.extract_strided_slice %select_n3A {offsets = [0, 5120], sizes = [16, 1024], strides = [1, 1]} : vector<16x8192xf32> to vector<16x1024xf32>
    %slice3A_161 = vector.extract_strided_slice %select_n3A {offsets = [0, 6144], sizes = [16, 1024], strides = [1, 1]} : vector<16x8192xf32> to vector<16x1024xf32>
    %slice3A_162 = vector.extract_strided_slice %select_n3A {offsets = [0, 7168], sizes = [16, 1024], strides = [1, 1]} : vector<16x8192xf32> to vector<16x1024xf32>
    %concatenate3A_163 = tpu.concatenate %slice3A_155, %slice3A_156, %slice3A_157, %slice3A_158, %slice3A_159, %slice3A_160, %slice3A_161, %slice3A_162 in 0 : vector<16x1024xf32>, vector<16x1024xf32>, vector<16x1024xf32>, vector<16x1024xf32>, vector<16x1024xf32>, vector<16x1024xf32>, vector<16x1024xf32>, vector<16x1024xf32> -> vector<128x1024xf32>
    %transpose3A_164 = tpu.transpose %concatenate3A_163, [1, 0] : vector<128x1024xf32> -> vector<1024x128xf32>
    %swap3A = arith.constant 0 : index
    %swap3A_165 = arith.constant 0 : index
    %swap3A_166 = vector.load %arg11[%swap3A, %swap3A_165] : memref<1024x128xf32, #tpu.memory_space<vmem>>, vector<1024x128xf32>
    tpu.vector_store %arg11[%swap3A, %swap3A_165], %transpose3A_164 {strides = array<i32>} : memref<1024x128xf32, #tpu.memory_space<vmem>>, vector<1024x128xf32>,
    return
  }
  func.func @transform_0(%arg0: i32) -> (i32, i32) {
    %c0_i32 = arith.constant 0 : i32
    %c0_i32_0 = arith.constant 0 : i32
    return %c0_i32, %arg0 : i32, i32
  }
  func.func @transform_1(%arg0: i32) -> (i32, i32) {
    %c0_i32 = arith.constant 0 : i32
    %c0_i32_0 = arith.constant 0 : i32
    return %arg0, %c0_i32 : i32, i32
  }
  func.func @transform_2(%arg0: i32) -> (i32, i32) {
    %c0_i32 = arith.constant 0 : i32
    %c0_i32_0 = arith.constant 0 : i32
    return %c0_i32, %arg0 : i32, i32
  }
  func.func @transform_3(%arg0: i32) -> (i32, i32) {
    %c0_i32 = arith.constant 0 : i32
    %c0_i32_0 = arith.constant 0 : i32
    %c0_i32_1 = arith.constant 0 : i32
    return %c0_i32, %c0_i32_0 : i32, i32
  }
  func.func @transform_4(%arg0: i32) -> (i32, i32) {
    %c0_i32 = arith.constant 0 : i32
    %c0_i32_0 = arith.constant 0 : i32
    %c0_i32_1 = arith.constant 0 : i32
    return %c0_i32, %c0_i32_0 : i32, i32
  }
  func.func @transform_5(%arg0: i32) -> (i32, i32) {
    %c0_i32 = arith.constant 0 : i32
    %c0_i32_0 = arith.constant 0 : i32
    %c0_i32_1 = arith.constant 0 : i32
    return %c0_i32, %c0_i32_0 : i32, i32
  }
  func.func @transform_6(%arg0: i32) -> (i32, i32) {
    %c0_i32 = arith.constant 0 : i32
    %c0_i32_0 = arith.constant 0 : i32
    %c0_i32_1 = arith.constant 0 : i32
    return %c0_i32, %c0_i32_0 : i32, i32
  }
  func.func @transform_7(%arg0: i32) -> (i32, i32) {
    %c0_i32 = arith.constant 0 : i32
    %c0_i32_0 = arith.constant 0 : i32
    %c0_i32_1 = arith.constant 0 : i32
    return %c0_i32, %c0_i32_0 : i32, i32
  }
  func.func @transform_8(%arg0: i32) -> (i32, i32) {
    %c0_i32 = arith.constant 0 : i32
    %c0_i32_0 = arith.constant 0 : i32
    %c0_i32_1 = arith.constant 0 : i32
    return %c0_i32, %c0_i32_0 : i32, i32
  }
  func.func @transform_9(%arg0: i32) -> (i32, i32) {
    %c0_i32 = arith.constant 0 : i32
    %c0_i32_0 = arith.constant 0 : i32
    %c0_i32_1 = arith.constant 0 : i32
    return %c0_i32, %c0_i32_0 : i32, i32
  }
  func.func @transform_10(%arg0: i32) -> (i32, i32) {
    %c0_i32 = arith.constant 0 : i32
    %c0_i32_0 = arith.constant 0 : i32
    return %arg0, %c0_i32 : i32, i32
  }
}

module attributes {stable_mosaic.version = 14 : i64} {
  func.func @_post_body(%arg0: memref<2x1250x128xf32, #tpu.memory_space<vmem>>, %arg1: memref<1x16xf32, #tpu.memory_space<vmem>>, %arg2: memref<1x16xf32, #tpu.memory_space<vmem>>, %arg3: memref<128x16xf32, #tpu.memory_space<vmem>>, %arg4: memref<128x1xf32, #tpu.memory_space<vmem>>, %arg5: memref<128x1xf32, #tpu.memory_space<vmem>>, %arg6: memref<128x1xf32, #tpu.memory_space<vmem>>, %arg7: memref<1250x8x128xf32, #tpu.memory_space<vmem>>) attributes {dimension_semantics = [], scalar_prefetch = 0 : i64, scratch_operands = 0 : i64, tpu.core_type = #tpu.core_type<tc>} {
    %get3A = arith.constant 0 : index
    %get3A_0 = arith.constant 0 : index
    %get3A_1 = arith.constant 0 : index
    %get3A_2 = vector.load %arg0[%get3A, %get3A_0, %get3A_1] : memref<2x1250x128xf32, #tpu.memory_space<vmem>>, vector<1x1250x128xf32>
    %get3A_3 = vector.shape_cast %get3A_2 : vector<1x1250x128xf32> to vector<1250x128xf32>
    %get3A_4 = arith.constant 1 : index
    %get3A_5 = arith.constant 0 : index
    %get3A_6 = arith.constant 0 : index
    %get3A_7 = vector.load %arg0[%get3A_4, %get3A_5, %get3A_6] : memref<2x1250x128xf32, #tpu.memory_space<vmem>>, vector<1x1250x128xf32>
    %get3A_8 = vector.shape_cast %get3A_7 : vector<1x1250x128xf32> to vector<1250x128xf32>
    %add3A = arith.addf %get3A_3, %get3A_8 : vector<1250x128xf32>
    %reduce_sum3A = arith.constant dense<0.000000e+00> : vector<128xf32>
    %reduce_sum3A_9 = vector.multi_reduction <add>, %add3A, %reduce_sum3A [0] : vector<1250x128xf32> to vector<128xf32>
    %broadcast_in_dim3A = vector.shape_cast %reduce_sum3A_9 : vector<128xf32> to vector<1x128xf32>
    %mul3A = arith.mulf %add3A, %add3A : vector<1250x128xf32>
    %reduce_sum3A_10 = arith.constant dense<0.000000e+00> : vector<128xf32>
    %reduce_sum3A_11 = vector.multi_reduction <add>, %mul3A, %reduce_sum3A_10 [0] : vector<1250x128xf32> to vector<128xf32>
    %broadcast_in_dim3A_12 = vector.shape_cast %reduce_sum3A_11 : vector<128xf32> to vector<1x128xf32>
    %slice3A = vector.extract_strided_slice %broadcast_in_dim3A {offsets = [0, 0], sizes = [1, 16], strides = [1, 1]} : vector<1x128xf32> to vector<1x16xf32>
    %slice3A_13 = vector.extract_strided_slice %broadcast_in_dim3A_12 {offsets = [0, 0], sizes = [1, 16], strides = [1, 1]} : vector<1x128xf32> to vector<1x16xf32>
    %slice3A_14 = vector.extract_strided_slice %broadcast_in_dim3A {offsets = [0, 16], sizes = [1, 16], strides = [1, 1]} : vector<1x128xf32> to vector<1x16xf32>
    %add3A_15 = arith.addf %slice3A, %slice3A_14 : vector<1x16xf32>
    %slice3A_16 = vector.extract_strided_slice %broadcast_in_dim3A_12 {offsets = [0, 16], sizes = [1, 16], strides = [1, 1]} : vector<1x128xf32> to vector<1x16xf32>
    %add3A_17 = arith.addf %slice3A_13, %slice3A_16 : vector<1x16xf32>
    %slice3A_18 = vector.extract_strided_slice %broadcast_in_dim3A {offsets = [0, 32], sizes = [1, 16], strides = [1, 1]} : vector<1x128xf32> to vector<1x16xf32>
    %add3A_19 = arith.addf %add3A_15, %slice3A_18 : vector<1x16xf32>
    %slice3A_20 = vector.extract_strided_slice %broadcast_in_dim3A_12 {offsets = [0, 32], sizes = [1, 16], strides = [1, 1]} : vector<1x128xf32> to vector<1x16xf32>
    %add3A_21 = arith.addf %add3A_17, %slice3A_20 : vector<1x16xf32>
    %slice3A_22 = vector.extract_strided_slice %broadcast_in_dim3A {offsets = [0, 48], sizes = [1, 16], strides = [1, 1]} : vector<1x128xf32> to vector<1x16xf32>
    %add3A_23 = arith.addf %add3A_19, %slice3A_22 : vector<1x16xf32>
    %slice3A_24 = vector.extract_strided_slice %broadcast_in_dim3A_12 {offsets = [0, 48], sizes = [1, 16], strides = [1, 1]} : vector<1x128xf32> to vector<1x16xf32>
    %add3A_25 = arith.addf %add3A_21, %slice3A_24 : vector<1x16xf32>
    %slice3A_26 = vector.extract_strided_slice %broadcast_in_dim3A {offsets = [0, 64], sizes = [1, 16], strides = [1, 1]} : vector<1x128xf32> to vector<1x16xf32>
    %add3A_27 = arith.addf %add3A_23, %slice3A_26 : vector<1x16xf32>
    %slice3A_28 = vector.extract_strided_slice %broadcast_in_dim3A_12 {offsets = [0, 64], sizes = [1, 16], strides = [1, 1]} : vector<1x128xf32> to vector<1x16xf32>
    %add3A_29 = arith.addf %add3A_25, %slice3A_28 : vector<1x16xf32>
    %slice3A_30 = vector.extract_strided_slice %broadcast_in_dim3A {offsets = [0, 80], sizes = [1, 16], strides = [1, 1]} : vector<1x128xf32> to vector<1x16xf32>
    %add3A_31 = arith.addf %add3A_27, %slice3A_30 : vector<1x16xf32>
    %slice3A_32 = vector.extract_strided_slice %broadcast_in_dim3A_12 {offsets = [0, 80], sizes = [1, 16], strides = [1, 1]} : vector<1x128xf32> to vector<1x16xf32>
    %add3A_33 = arith.addf %add3A_29, %slice3A_32 : vector<1x16xf32>
    %slice3A_34 = vector.extract_strided_slice %broadcast_in_dim3A {offsets = [0, 96], sizes = [1, 16], strides = [1, 1]} : vector<1x128xf32> to vector<1x16xf32>
    %add3A_35 = arith.addf %add3A_31, %slice3A_34 : vector<1x16xf32>
    %slice3A_36 = vector.extract_strided_slice %broadcast_in_dim3A_12 {offsets = [0, 96], sizes = [1, 16], strides = [1, 1]} : vector<1x128xf32> to vector<1x16xf32>
    %add3A_37 = arith.addf %add3A_33, %slice3A_36 : vector<1x16xf32>
    %slice3A_38 = vector.extract_strided_slice %broadcast_in_dim3A {offsets = [0, 112], sizes = [1, 16], strides = [1, 1]} : vector<1x128xf32> to vector<1x16xf32>
    %add3A_39 = arith.addf %add3A_35, %slice3A_38 : vector<1x16xf32>
    %slice3A_40 = vector.extract_strided_slice %broadcast_in_dim3A_12 {offsets = [0, 112], sizes = [1, 16], strides = [1, 1]} : vector<1x128xf32> to vector<1x16xf32>
    %add3A_41 = arith.addf %add3A_37, %slice3A_40 : vector<1x16xf32>
    %mul3A_42 = arith.constant 9.99999974E-5 : f32
    %mul3A_43 = vector.broadcast %mul3A_42 : f32 to vector<1x16xf32>
    %mul3A_44 = arith.mulf %add3A_39, %mul3A_43 : vector<1x16xf32>
    %mul3A_45 = arith.constant 9.99999974E-5 : f32
    %mul3A_46 = vector.broadcast %mul3A_45 : f32 to vector<1x16xf32>
    %mul3A_47 = arith.mulf %add3A_41, %mul3A_46 : vector<1x16xf32>
    %mul3A_48 = arith.mulf %mul3A_44, %mul3A_44 : vector<1x16xf32>
    %sub3A = arith.subf %mul3A_47, %mul3A_48 : vector<1x16xf32>
    %get3A_49 = arith.constant 0 : index
    %get3A_50 = arith.constant 0 : index
    %get3A_51 = vector.load %arg1[%get3A_49, %get3A_50] : memref<1x16xf32, #tpu.memory_space<vmem>>, vector<1x16xf32>
    %add3A_52 = arith.constant 9.99999974E-6 : f32
    %add3A_53 = vector.broadcast %add3A_52 : f32 to vector<1x16xf32>
    %add3A_54 = arith.addf %sub3A, %add3A_53 : vector<1x16xf32>
    %rsqrt3A = math.rsqrt %add3A_54 : vector<1x16xf32>
    %mul3A_55 = arith.mulf %get3A_51, %rsqrt3A : vector<1x16xf32>
    %get3A_56 = arith.constant 0 : index
    %get3A_57 = arith.constant 0 : index
    %get3A_58 = vector.load %arg2[%get3A_56, %get3A_57] : memref<1x16xf32, #tpu.memory_space<vmem>>, vector<1x16xf32>
    %mul3A_59 = arith.mulf %mul3A_44, %mul3A_55 : vector<1x16xf32>
    %sub3A_60 = arith.subf %get3A_58, %mul3A_59 : vector<1x16xf32>
    %concatenate3A = tpu.concatenate %mul3A_55, %mul3A_55, %mul3A_55, %mul3A_55, %mul3A_55, %mul3A_55, %mul3A_55, %mul3A_55 in 1 : vector<1x16xf32>, vector<1x16xf32>, vector<1x16xf32>, vector<1x16xf32>, vector<1x16xf32>, vector<1x16xf32>, vector<1x16xf32>, vector<1x16xf32> -> vector<1x128xf32>
    %concatenate3A_61 = tpu.concatenate %sub3A_60, %sub3A_60, %sub3A_60, %sub3A_60, %sub3A_60, %sub3A_60, %sub3A_60, %sub3A_60 in 1 : vector<1x16xf32>, vector<1x16xf32>, vector<1x16xf32>, vector<1x16xf32>, vector<1x16xf32>, vector<1x16xf32>, vector<1x16xf32>, vector<1x16xf32> -> vector<1x128xf32>
    %mul3A_62 = vector.broadcast %concatenate3A : vector<1x128xf32> to vector<1250x128xf32>
    %mul3A_63 = arith.mulf %add3A, %mul3A_62 : vector<1250x128xf32>
    %add3A_64 = vector.broadcast %concatenate3A_61 : vector<1x128xf32> to vector<1250x128xf32>
    %add3A_65 = arith.addf %mul3A_63, %add3A_64 : vector<1250x128xf32>
    %max3A = arith.constant 0.000000e+00 : f32
    %max3A_66 = vector.broadcast %max3A : f32 to vector<1250x128xf32>
    %max3A_67 = arith.maximumf %add3A_65, %max3A_66 : vector<1250x128xf32>
    %transpose3A = tpu.transpose %max3A_67, [1, 0] : vector<1250x128xf32> -> vector<128x1250xf32>
    %slice3A_68 = vector.extract_strided_slice %transpose3A {offsets = [0, 0], sizes = [16, 1250], strides = [1, 1]} : vector<128x1250xf32> to vector<16x1250xf32>
    %slice3A_69 = vector.extract_strided_slice %transpose3A {offsets = [16, 0], sizes = [16, 1250], strides = [1, 1]} : vector<128x1250xf32> to vector<16x1250xf32>
    %slice3A_70 = vector.extract_strided_slice %transpose3A {offsets = [32, 0], sizes = [16, 1250], strides = [1, 1]} : vector<128x1250xf32> to vector<16x1250xf32>
    %slice3A_71 = vector.extract_strided_slice %transpose3A {offsets = [48, 0], sizes = [16, 1250], strides = [1, 1]} : vector<128x1250xf32> to vector<16x1250xf32>
    %slice3A_72 = vector.extract_strided_slice %transpose3A {offsets = [64, 0], sizes = [16, 1250], strides = [1, 1]} : vector<128x1250xf32> to vector<16x1250xf32>
    %slice3A_73 = vector.extract_strided_slice %transpose3A {offsets = [80, 0], sizes = [16, 1250], strides = [1, 1]} : vector<128x1250xf32> to vector<16x1250xf32>
    %slice3A_74 = vector.extract_strided_slice %transpose3A {offsets = [96, 0], sizes = [16, 1250], strides = [1, 1]} : vector<128x1250xf32> to vector<16x1250xf32>
    %slice3A_75 = vector.extract_strided_slice %transpose3A {offsets = [112, 0], sizes = [16, 1250], strides = [1, 1]} : vector<128x1250xf32> to vector<16x1250xf32>
    %concatenate3A_76 = tpu.concatenate %slice3A_68, %slice3A_69, %slice3A_70, %slice3A_71, %slice3A_72, %slice3A_73, %slice3A_74, %slice3A_75 in 1 : vector<16x1250xf32>, vector<16x1250xf32>, vector<16x1250xf32>, vector<16x1250xf32>, vector<16x1250xf32>, vector<16x1250xf32>, vector<16x1250xf32>, vector<16x1250xf32> -> vector<16x10000xf32>
    %get3A_77 = arith.constant 0 : index
    %get3A_78 = arith.constant 0 : index
    %get3A_79 = vector.load %arg3[%get3A_77, %get3A_78] : memref<128x16xf32, #tpu.memory_space<vmem>>, vector<128x16xf32>
    %dot_general3A = arith.constant dense<0.000000e+00> : vector<128x10000xf32>
    %dot_general3A_80 = tpu.matmul %get3A_79, %concatenate3A_76, %dot_general3A {dimension_numbers = #tpu.dot_dimension_numbers<[1], [0], [0], [1], [0, 0, 1, 1], [], []>, transpose_lhs_hint = false} : vector<128x16xf32>, vector<16x10000xf32>, vector<128x10000xf32> -> vector<128x10000xf32>
    %get3A_81 = arith.constant 0 : index
    %get3A_82 = arith.constant 0 : index
    %get3A_83 = vector.load %arg4[%get3A_81, %get3A_82] : memref<128x1xf32, #tpu.memory_space<vmem>>, vector<128x1xf32>
    %add3A_84 = vector.broadcast %get3A_83 : vector<128x1xf32> to vector<128x10000xf32>
    %add3A_85 = arith.addf %dot_general3A_80, %add3A_84 : vector<128x10000xf32>
    %reduce_sum3A_86 = arith.constant dense<0.000000e+00> : vector<128xf32>
    %reduce_sum3A_87 = vector.multi_reduction <add>, %add3A_85, %reduce_sum3A_86 [1] : vector<128x10000xf32> to vector<128xf32>
    %broadcast_in_dim3A_88 = vector.shape_cast %reduce_sum3A_87 : vector<128xf32> to vector<128x1xf32>
    %div3A = arith.constant 1.000000e+04 : f32
    %div3A_89 = vector.broadcast %div3A : f32 to vector<128x1xf32>
    %div3A_90 = arith.divf %broadcast_in_dim3A_88, %div3A_89 : vector<128x1xf32>
    %sub3A_91 = vector.broadcast %div3A_90 : vector<128x1xf32> to vector<128x10000xf32>
    %sub3A_92 = arith.subf %add3A_85, %sub3A_91 : vector<128x10000xf32>
    %mul3A_93 = arith.mulf %sub3A_92, %sub3A_92 : vector<128x10000xf32>
    %reduce_sum3A_94 = arith.constant dense<0.000000e+00> : vector<128xf32>
    %reduce_sum3A_95 = vector.multi_reduction <add>, %mul3A_93, %reduce_sum3A_94 [1] : vector<128x10000xf32> to vector<128xf32>
    %broadcast_in_dim3A_96 = vector.shape_cast %reduce_sum3A_95 : vector<128xf32> to vector<128x1xf32>
    %div3A_97 = arith.constant 1.000000e+04 : f32
    %div3A_98 = vector.broadcast %div3A_97 : f32 to vector<128x1xf32>
    %div3A_99 = arith.divf %broadcast_in_dim3A_96, %div3A_98 : vector<128x1xf32>
    %get3A_100 = arith.constant 0 : index
    %get3A_101 = arith.constant 0 : index
    %get3A_102 = vector.load %arg5[%get3A_100, %get3A_101] : memref<128x1xf32, #tpu.memory_space<vmem>>, vector<128x1xf32>
    %add3A_103 = arith.constant 9.99999974E-6 : f32
    %add3A_104 = vector.broadcast %add3A_103 : f32 to vector<128x1xf32>
    %add3A_105 = arith.addf %div3A_99, %add3A_104 : vector<128x1xf32>
    %rsqrt3A_106 = math.rsqrt %add3A_105 : vector<128x1xf32>
    %mul3A_107 = arith.mulf %get3A_102, %rsqrt3A_106 : vector<128x1xf32>
    %mul3A_108 = vector.broadcast %mul3A_107 : vector<128x1xf32> to vector<128x10000xf32>
    %mul3A_109 = arith.mulf %sub3A_92, %mul3A_108 : vector<128x10000xf32>
    %get3A_110 = arith.constant 0 : index
    %get3A_111 = arith.constant 0 : index
    %get3A_112 = vector.load %arg6[%get3A_110, %get3A_111] : memref<128x1xf32, #tpu.memory_space<vmem>>, vector<128x1xf32>
    %add3A_113 = vector.broadcast %get3A_112 : vector<128x1xf32> to vector<128x10000xf32>
    %add3A_114 = arith.addf %mul3A_109, %add3A_113 : vector<128x10000xf32>
    %slice3A_115 = vector.extract_strided_slice %add3A_114 {offsets = [0, 0], sizes = [128, 1250], strides = [1, 1]} : vector<128x10000xf32> to vector<128x1250xf32>
    %transpose3A_116 = tpu.transpose %slice3A_115, [1, 0] : vector<128x1250xf32> -> vector<1250x128xf32>
    %swap3A = arith.constant 0 : index
    %swap3A_117 = arith.constant 0 : index
    %swap3A_118 = arith.constant 0 : index
    %swap3A_119 = vector.load %arg7[%swap3A, %swap3A_117, %swap3A_118] : memref<1250x8x128xf32, #tpu.memory_space<vmem>>, vector<1250x1x128xf32>
    %swap3A_120 = vector.shape_cast %swap3A_119 : vector<1250x1x128xf32> to vector<1250x128xf32>
    %swap3A_121 = vector.shape_cast %transpose3A_116 : vector<1250x128xf32> to vector<1250x1x128xf32>
    tpu.vector_store %arg7[%swap3A, %swap3A_117, %swap3A_118], %swap3A_121 {strides = array<i32>} : memref<1250x8x128xf32, #tpu.memory_space<vmem>>, vector<1250x1x128xf32>,
    %slice3A_122 = vector.extract_strided_slice %add3A_114 {offsets = [0, 1250], sizes = [128, 1250], strides = [1, 1]} : vector<128x10000xf32> to vector<128x1250xf32>
    %transpose3A_123 = tpu.transpose %slice3A_122, [1, 0] : vector<128x1250xf32> -> vector<1250x128xf32>
    %swap3A_124 = arith.constant 0 : index
    %swap3A_125 = arith.constant 1 : index
    %swap3A_126 = arith.constant 0 : index
    %swap3A_127 = vector.load %arg7[%swap3A_124, %swap3A_125, %swap3A_126] : memref<1250x8x128xf32, #tpu.memory_space<vmem>>, vector<1250x1x128xf32>
    %swap3A_128 = vector.shape_cast %swap3A_127 : vector<1250x1x128xf32> to vector<1250x128xf32>
    %swap3A_129 = vector.shape_cast %transpose3A_123 : vector<1250x128xf32> to vector<1250x1x128xf32>
    tpu.vector_store %arg7[%swap3A_124, %swap3A_125, %swap3A_126], %swap3A_129 {strides = array<i32>} : memref<1250x8x128xf32, #tpu.memory_space<vmem>>, vector<1250x1x128xf32>,
    %slice3A_130 = vector.extract_strided_slice %add3A_114 {offsets = [0, 2500], sizes = [128, 1250], strides = [1, 1]} : vector<128x10000xf32> to vector<128x1250xf32>
    %transpose3A_131 = tpu.transpose %slice3A_130, [1, 0] : vector<128x1250xf32> -> vector<1250x128xf32>
    %swap3A_132 = arith.constant 0 : index
    %swap3A_133 = arith.constant 2 : index
    %swap3A_134 = arith.constant 0 : index
    %swap3A_135 = vector.load %arg7[%swap3A_132, %swap3A_133, %swap3A_134] : memref<1250x8x128xf32, #tpu.memory_space<vmem>>, vector<1250x1x128xf32>
    %swap3A_136 = vector.shape_cast %swap3A_135 : vector<1250x1x128xf32> to vector<1250x128xf32>
    %swap3A_137 = vector.shape_cast %transpose3A_131 : vector<1250x128xf32> to vector<1250x1x128xf32>
    tpu.vector_store %arg7[%swap3A_132, %swap3A_133, %swap3A_134], %swap3A_137 {strides = array<i32>} : memref<1250x8x128xf32, #tpu.memory_space<vmem>>, vector<1250x1x128xf32>,
    %slice3A_138 = vector.extract_strided_slice %add3A_114 {offsets = [0, 3750], sizes = [128, 1250], strides = [1, 1]} : vector<128x10000xf32> to vector<128x1250xf32>
    %transpose3A_139 = tpu.transpose %slice3A_138, [1, 0] : vector<128x1250xf32> -> vector<1250x128xf32>
    %swap3A_140 = arith.constant 0 : index
    %swap3A_141 = arith.constant 3 : index
    %swap3A_142 = arith.constant 0 : index
    %swap3A_143 = vector.load %arg7[%swap3A_140, %swap3A_141, %swap3A_142] : memref<1250x8x128xf32, #tpu.memory_space<vmem>>, vector<1250x1x128xf32>
    %swap3A_144 = vector.shape_cast %swap3A_143 : vector<1250x1x128xf32> to vector<1250x128xf32>
    %swap3A_145 = vector.shape_cast %transpose3A_139 : vector<1250x128xf32> to vector<1250x1x128xf32>
    tpu.vector_store %arg7[%swap3A_140, %swap3A_141, %swap3A_142], %swap3A_145 {strides = array<i32>} : memref<1250x8x128xf32, #tpu.memory_space<vmem>>, vector<1250x1x128xf32>,
    %slice3A_146 = vector.extract_strided_slice %add3A_114 {offsets = [0, 5000], sizes = [128, 1250], strides = [1, 1]} : vector<128x10000xf32> to vector<128x1250xf32>
    %transpose3A_147 = tpu.transpose %slice3A_146, [1, 0] : vector<128x1250xf32> -> vector<1250x128xf32>
    %swap3A_148 = arith.constant 0 : index
    %swap3A_149 = arith.constant 4 : index
    %swap3A_150 = arith.constant 0 : index
    %swap3A_151 = vector.load %arg7[%swap3A_148, %swap3A_149, %swap3A_150] : memref<1250x8x128xf32, #tpu.memory_space<vmem>>, vector<1250x1x128xf32>
    %swap3A_152 = vector.shape_cast %swap3A_151 : vector<1250x1x128xf32> to vector<1250x128xf32>
    %swap3A_153 = vector.shape_cast %transpose3A_147 : vector<1250x128xf32> to vector<1250x1x128xf32>
    tpu.vector_store %arg7[%swap3A_148, %swap3A_149, %swap3A_150], %swap3A_153 {strides = array<i32>} : memref<1250x8x128xf32, #tpu.memory_space<vmem>>, vector<1250x1x128xf32>,
    %slice3A_154 = vector.extract_strided_slice %add3A_114 {offsets = [0, 6250], sizes = [128, 1250], strides = [1, 1]} : vector<128x10000xf32> to vector<128x1250xf32>
    %transpose3A_155 = tpu.transpose %slice3A_154, [1, 0] : vector<128x1250xf32> -> vector<1250x128xf32>
    %swap3A_156 = arith.constant 0 : index
    %swap3A_157 = arith.constant 5 : index
    %swap3A_158 = arith.constant 0 : index
    %swap3A_159 = vector.load %arg7[%swap3A_156, %swap3A_157, %swap3A_158] : memref<1250x8x128xf32, #tpu.memory_space<vmem>>, vector<1250x1x128xf32>
    %swap3A_160 = vector.shape_cast %swap3A_159 : vector<1250x1x128xf32> to vector<1250x128xf32>
    %swap3A_161 = vector.shape_cast %transpose3A_155 : vector<1250x128xf32> to vector<1250x1x128xf32>
    tpu.vector_store %arg7[%swap3A_156, %swap3A_157, %swap3A_158], %swap3A_161 {strides = array<i32>} : memref<1250x8x128xf32, #tpu.memory_space<vmem>>, vector<1250x1x128xf32>,
    %slice3A_162 = vector.extract_strided_slice %add3A_114 {offsets = [0, 7500], sizes = [128, 1250], strides = [1, 1]} : vector<128x10000xf32> to vector<128x1250xf32>
    %transpose3A_163 = tpu.transpose %slice3A_162, [1, 0] : vector<128x1250xf32> -> vector<1250x128xf32>
    %swap3A_164 = arith.constant 0 : index
    %swap3A_165 = arith.constant 6 : index
    %swap3A_166 = arith.constant 0 : index
    %swap3A_167 = vector.load %arg7[%swap3A_164, %swap3A_165, %swap3A_166] : memref<1250x8x128xf32, #tpu.memory_space<vmem>>, vector<1250x1x128xf32>
    %swap3A_168 = vector.shape_cast %swap3A_167 : vector<1250x1x128xf32> to vector<1250x128xf32>
    %swap3A_169 = vector.shape_cast %transpose3A_163 : vector<1250x128xf32> to vector<1250x1x128xf32>
    tpu.vector_store %arg7[%swap3A_164, %swap3A_165, %swap3A_166], %swap3A_169 {strides = array<i32>} : memref<1250x8x128xf32, #tpu.memory_space<vmem>>, vector<1250x1x128xf32>,
    %slice3A_170 = vector.extract_strided_slice %add3A_114 {offsets = [0, 8750], sizes = [128, 1250], strides = [1, 1]} : vector<128x10000xf32> to vector<128x1250xf32>
    %transpose3A_171 = tpu.transpose %slice3A_170, [1, 0] : vector<128x1250xf32> -> vector<1250x128xf32>
    %swap3A_172 = arith.constant 0 : index
    %swap3A_173 = arith.constant 7 : index
    %swap3A_174 = arith.constant 0 : index
    %swap3A_175 = vector.load %arg7[%swap3A_172, %swap3A_173, %swap3A_174] : memref<1250x8x128xf32, #tpu.memory_space<vmem>>, vector<1250x1x128xf32>
    %swap3A_176 = vector.shape_cast %swap3A_175 : vector<1250x1x128xf32> to vector<1250x128xf32>
    %swap3A_177 = vector.shape_cast %transpose3A_171 : vector<1250x128xf32> to vector<1250x1x128xf32>
    tpu.vector_store %arg7[%swap3A_172, %swap3A_173, %swap3A_174], %swap3A_177 {strides = array<i32>} : memref<1250x8x128xf32, #tpu.memory_space<vmem>>, vector<1250x1x128xf32>,
    return
  }
}

</mosaic_0001>

<sc_bundles>
// kernel: kernel.11.cloned.1.call-start
scs
__scs_entry_jumppad:
0x0: {  	(pc) =	sbr.rel $0x88, $3  }
0x1: {  	(tag) =	ssettag $0x0;
	lr =	simm.s32 $0x1  }
0x2: {  	[smem:$0x3F8D] =	sst lr;
	_ =	strace $0xD0000000  }
0x3: {  	_ = 	snop  }
0x4: {  	_ = 	snop  }
0x5: {  	_ = 	snop  }
0x6: {  	_ = 	snop  }
0x7: {  	_ = 	snop  }
__scs_overlays_trampoline_lowered:
0x8: {  	[smem:$0x3F9C] =	sst s0  }
0x9: {  	[smem:$0x3F9D] =	sst s1  }
0xa: {  	[smem:$0x3F9E] =	sst s2  }
0xb: {  	[smem:$0x3F9F] =	sst s3  }
0xc: {  	[smem:$0x3FA0] =	sst s4  }
0xd: {  	[smem:$0x3FA1] =	sst s5  }
0xe: {  	[smem:$0x3FA2] =	sst s6  }
0xf: {  	[smem:$0x3FA3] =	sst s7  }
0x10: {  	[smem:$0x3FA4] =	sst s8  }
0x11: {  	[smem:$0x3FA5] =	sst s9;
	s0 =	simm.s32 @!p0 $0x0  }
0x12: {  	s1 =	sld [smem:$0x3F8B];
	s0 =	simm.s32 @p0 $0x1  }
0x13: {  	[smem:$0x3FA6] =	sst s0;
	s0 =	simm.s32 @!p1 $0x0  }
0x14: {  	s2 =	sld [smem:$0x3F8A];
	s0 =	simm.s32 @p1 $0x1  }
0x15: {  	[smem:$0x3FA7] =	sst s0;
	s0 =	simm.s32 @!p2 $0x0  }
0x16: {  	s3 =	sld [smem:$0x3FDB];
	s0 =	simm.s32 @p2 $0x1  }
0x17: {  	s4 =	simm.s32 $0x1BF5;
	[smem:$0x3FA9] =	sst s0  }
0x18: {  	s0 =	sld [smem:$0x3F8C];
	_ =	swait.ge [sflag:s4], $0x0  }
0x19: {  	s7 =	sld [smem:$0x3F8D]  }
0x1a: {  	s8 =	sadd.s32 $0xFFFFE003, lr  }
0x1b: {  	s9 =	sadd.s32 $0xFFFFFEF7, lr;
	s5 =	simm.s32 $0xFFFFFFFF;
	p2 =	slt.u32 s8, $0xFFFFF086  }
0x1c: {  	p1 =	slt.u32 s9, $0xF7A;
	s5 =	simm.s32 @!p2 $0x0  }
0x1d: {  	s5 =	simm.s32 @p1 $0x1;
	p0 =	seq.s32 s7, s2  }
0x1e: {  	s7 =	smul.u32 @!p0 $0xF7A, s2;
	p2 =	seq.s32 @!p0 s5, $0x0  }
0x1f: {  	s9 =	smul.u32 $0xF7A, s1;
	s8 =	simm.s32 @!p0 $0x1BF5;
	p2 =	por !p2, p0  }
0x20: {  	[sflag:s8] =	ssyncset.s32 @!p0 $0xFFFFF086;
	s6 =	sadd.s32 @!p0 s3, s7;
	s7 =	simm.s32 @!p0 $0x108  }
0x21: {  	s3 =	sadd.s32 s3, s9;
	s6 =	sadd.s32 @!p0 $0x88, s6;
	s7 =	simm.s32 @p2 $0x1082  }
0x22: {  	[simem:s7], [sflag:s8] =	dma.local @!p0 [hbm:s6], $0xF7A  }
0x23: {  	s9 =	sor.u32 $0xD0000000, s2;
	s6 =	simm.s32 $0x108;
	_ =	swait.ge @!p0 [sflag:s8], $0x0  }
0x24: {  	s3 =	sadd.s32 $0x88, s3;
	s6 =	simm.s32 @!p1 $0x1082;
	[sflag:s4] =	ssyncset.s32 $0xFFFFF086  }
0x25: {  	[simem:s6], [sflag:s4] =	dma.local [hbm:s3], $0xF7A  }
0x26: {  	[smem:$0x3F8D] =	sst s1;
	(tag) =	ssettag s2;
	_ =	strace s9  }
0x27: {  	s1 =	sld [smem:$0x3F9D]  }
0x28: {  	s2 =	sld [smem:$0x3F9E]  }
0x29: {  	s4 =	sld [smem:$0x3FA0]  }
0x2a: {  	p0 =	seq.s32 s5, $0x0;
	s5 =	sld [smem:$0x3FA1]  }
0x2b: {  	s6 =	sld [smem:$0x3FA2]  }
0x2c: {  	s7 =	sld [smem:$0x3FA3]  }
0x2d: {  	s3 =	simm.s32 $0x108;
	s8 =	sld [smem:$0x3FA4]  }
0x2e: {  	s3 =	simm.s32 @!p0 $0x1082;
	s9 =	sld [smem:$0x3FA5]  }
0x2f: {  	lr =	sadd.s32 s0, s3;
	s0 =	sld [smem:$0x3F9C]  }
0x30: {  	s3 =	sld [smem:$0x3F9F]  }
0x31: {  	[smem:$0x3FA8] =	sst s10  }
0x32: {  	s10 =	sld [smem:$0x3FA6];
	_ =	sdelay $0x3  }
0x33: {  	p0 =	seq.s32 s10, $0x1;
	s10 =	sld [smem:$0x3FA8];
	_ =	sdelay $0x3  }
0x34: {  	[smem:$0x3FA8] =	sst s10  }
0x35: {  	s10 =	sld [smem:$0x3FA7];
	_ =	sdelay $0x3  }
0x36: {  	p1 =	seq.s32 s10, $0x1;
	s10 =	sld [smem:$0x3FA8];
	_ =	sdelay $0x3  }
0x37: {  	[smem:$0x3FA8] =	sst s10  }
0x38: {  	s10 =	sld [smem:$0x3FA9]  }
0x39: {  	_ = 	snop;
	(pc) =	sbr.ind lr, $3  }
0x3a: {  	_ = 	snop  }
0x3b: {  	_ = 	snop  }
0x3c: {  	p2 =	seq.s32 s10, $0x1;
	s10 =	sld [smem:$0x3FA8]  }
0x3d: {  	_ =	shalt  }
0x3e: {  	_ =	shalt  }
0x3f: {  	_ =	shalt  }
0x40: {  	_ =	shalt  }
0x41: {  	_ =	shalt  }
0x42: {  	_ =	shalt  }
0x43: {  	_ =	shalt  }
0x44: {  	_ =	shalt  }
0x45: {  	_ =	shalt  }
0x46: {  	_ =	shalt  }
0x47: {  	_ =	shalt  }
0x48: {  	_ =	shalt  }
0x49: {  	_ =	shalt  }
0x4a: {  	_ =	shalt  }
0x4b: {  	_ =	shalt  }
0x4c: {  	_ =	shalt  }
0x4d: {  	_ =	shalt  }
0x4e: {  	_ =	shalt  }
0x4f: {  	_ =	shalt  }
0x50: {  	_ =	shalt  }
0x51: {  	_ =	shalt  }
0x52: {  	_ =	shalt  }
0x53: {  	_ =	shalt  }
0x54: {  	_ =	shalt  }
0x55: {  	_ =	shalt  }
0x56: {  	_ =	shalt  }
0x57: {  	_ =	shalt  }
0x58: {  	_ =	shalt  }
0x59: {  	_ =	shalt  }
0x5a: {  	_ =	shalt  }
0x5b: {  	_ =	shalt  }
0x5c: {  	_ =	shalt  }
0x5d: {  	_ =	shalt  }
0x5e: {  	_ =	shalt  }
0x5f: {  	_ =	shalt  }
0x60: {  	_ =	shalt  }
0x61: {  	_ =	shalt  }
0x62: {  	_ =	shalt  }
0x63: {  	_ =	shalt  }
0x64: {  	_ =	shalt  }
0x65: {  	_ =	shalt  }
0x66: {  	_ =	shalt  }
0x67: {  	_ =	shalt  }
0x68: {  	_ =	shalt  }
0x69: {  	_ =	shalt  }
0x6a: {  	_ =	shalt  }
0x6b: {  	_ =	shalt  }
0x6c: {  	_ =	shalt  }
0x6d: {  	_ =	shalt  }
0x6e: {  	_ =	shalt  }
0x6f: {  	_ =	shalt  }
0x70: {  	_ =	shalt  }
0x71: {  	_ =	shalt  }
0x72: {  	_ =	shalt  }
0x73: {  	_ =	shalt  }
0x74: {  	_ =	shalt  }
0x75: {  	_ =	shalt  }
0x76: {  	_ =	shalt  }
0x77: {  	_ =	shalt  }
0x78: {  	_ =	shalt  }
0x79: {  	_ =	shalt  }
0x7a: {  	_ =	shalt  }
0x7b: {  	_ =	shalt  }
0x7c: {  	_ =	shalt  }
0x7d: {  	_ =	shalt  }
0x7e: {  	_ =	shalt  }
0x7f: {  	_ =	shalt  }
0x80: {  	_ =	shalt  }
0x81: {  	_ =	shalt  }
0x82: {  	_ =	shalt  }
0x83: {  	_ =	shalt  }
0x84: {  	_ =	shalt  }
0x85: {  	_ =	shalt  }
0x86: {  	_ =	shalt  }
0x87: {  	_ =	shalt  }
.Lfunc_end0:
.L_simem_size_0:
called_computation.1_lowered:
.L_overlay_start_0:
0x88: {  	s2 =	sld [smem:$0x3FD9]  }
0x89: {  	s3 =	sld [smem:$0x3FFE];
	_ =	sdelay $0x1  }
0x8a: {  	s1 =	srdreg.scid  }
0x8b: {  	s0 =	sand.u32 $0x1, s1  }
0x8c: {  	s17 =	sshll.u32 s0, $0xA;
	s2 =	sadd.s32 s3, s2  }
0x8d: {  	s2 =	sadd.s32 s2, s17  }
0x8e: {  	[smem:$0x3FB4] =	sst s2  }
0x8f: {  	_ = 	snop  }
0x90: {  	s2 =	sld [smem:$0x3FD0];
	(tm) =	ssettm $0x1  }
0x91: {  	s18 =	sld [smem:$0x3FFB];
	_ =	sdelay $0x3  }
0x92: {  	_ =	strace s18  }
0x93: {  	s3 =	sld [smem:$0x3FFC];
	_ =	sdelay $0x3  }
0x94: {  	_ =	strace s3  }
0x95: {  	s3 =	sld [smem:$0x3FFD];
	_ =	sdelay $0x3  }
0x96: {  	_ =	strace s3  }
0x97: {  	_ =	strace $0x8FFFFFFF  }
0x98: {  	s19 =	sld [smem:$0x3FDB];
	_ =	sdelay $0x1  }
0x99: {  	s4 =	simm.s32 $_scs_section_size  }
0x9a: {  	s5 =	simm.s32 $_size__tile_overlayer_lowered;
	s6 =	simm.s32 $_tile_overlayer_lowered  }
0x9b: {  	s22 =	simm.s32 $0x1BFF;
	s21 =	sshll.u32 s6, $0x1;
	s3 =	sadd.s32 s4, s19  }
0x9c: {  	s7 =	simm.s32 $0x0;
	s20 =	sshll.u32 s5, $0x1;
	s5 =	sadd.s32 s21, s3  }
0x9d: {  	[timem:s7], [sflag:s22] =	dma.local [hbm:s5], s20  }
0x9e: {  	_ =	swait.ge [sflag:s22], s20  }
0x9f: {  	s4 =	ssub.s32 $0x0, s20;
	[sflag:s22] =	ssyncset.done $0x0  }
0xa0: {  	[sflag:s22] =	ssyncadd.s32 s4;
	_ =	sdelay $0x1  }
0xa1: {  	s23 =	simm.s32 $0x1B8B  }
0xa2: {  	_ =	swait.ge [sflag:s23], $0x1  }
0xa3: {  	[sflag:s23] =	ssyncset.done $0x0  }
0xa4: {  	s25 =	simm.s32 $0x1B8E;
	s24 =	sld [smem:$0x3FFE];
	[sflag:s23] =	ssyncadd.s32 $0xFFFFFFFF  }
0xa5: {  	s26 =	simm.s32 $execute0_lowered;
	[smem:$0x3FD2] =	sst s25  }
0xa6: {  	s5 =	sshll.u32 s26, $0x1;
	_ =	strace $0x80000049;
	[dreg:$0x1] =	wrdreg $0xFFFFFFFF  }
0xa7: {  	s28 =	simm.s32 $_size_execute0_lowered;
	s3 =	sadd.s32 s3, s5;
	[dreg:$0x0] =	wrdreg $0x0  }
0xa8: {  	s5 =	sshll.u32 s28, $0x1;
	[dreg:$0x2] =	wrdreg s3  }
0xa9: {  	[dreg:$0x3] =	wrdreg s5  }
0xaa: {  	[dreg:$0x4] =	wrdreg $0xC0  }
0xab: {  	_ =	task [dreg:s7], $0x5FFFF  }
0xac: {  	[dreg:$0x1] =	wrdreg $0xFFFFFFFF  }
0xad: {  	[dreg:$0x0] =	wrdreg $0x60  }
0xae: {  	[dreg:$0x2] =	wrdreg s24  }
0xaf: {  	[dreg:$0x3] =	wrdreg s2  }
0xb0: {  	[dreg:$0x4] =	wrdreg $0x154000  }
0xb1: {  	[dreg:$0x5] =	wrdreg $0x9  }
0xb2: {  	_ =	task.clear_ibuf [dreg:s7], $0x6FFFF;
	_ =	strace $0x90000049  }
0xb3: {  	s29 =	simm.s32 $0x9;
	_ =	strace $0x8000004B  }
0xb4: {  	_ =	swait.ge [sflag:s29], $0x1  }
0xb5: {  	[sflag:s29] =	ssyncadd.s32 $0xFFFFFFFF  }
0xb6: {  	_ =	strace $0x9000004B  }
0xb7: {  	_ =	sfence  }
0xb8: {  	s30 =	sld [smem:$0x0];
	_ =	sdelay $0x2  }
0xb9: {  	s31 =	sshll.u32 s1, $0xD;
	s1 =	sshrl.u32 s1, $0x2  }
0xba: {  	s3 =	sand.u32 $0x4000, s31;
	s1 =	sadd.s32 s1, s30  }
0xbb: {  	s0 =	sor.u32 s3, s0;
	s1 =	sshll.u32 s1, $0x11  }
0xbc: {  	s0 =	sor.u32 s1, s0  }
0xbd: {  	s0 =	sadd.s32 $0x8F2B, s0  }
0xbe: {  	[sflag:s0] =	ssyncadd.remote.s32 $0x1  }
0xbf: {  	_ =	sfence.sel $0xFFFF  }
0xc0: {  	[dreg:$0x0] =	wrdreg $0xFFFFFFFF;
	(pc) =	sbr.abs _section_cstart, $3  }
0xc1: {  	[dreg:$0x1] =	wrdreg $0xFFFFFFFF  }
0xc2: {  	_ =	task.clear_ibuf [dreg:s7], $0x2FFFF;
	_ =	strace $0x9FFFFFFF  }
0xc3: {  	(tm) =	ssettm $0x7FFFFFFF  }
tec
execute0_lowered:
.L_overlay_start_1:
0x0: {  	(tag) =	ssettag $0x1  }
0x1: {  	s4 =	rddreg [dreg:$0x0]  }
0x2: {  	s0 =	srdreg.scid;
	s5 =	rddreg [dreg:$0x1]  }
0x3: {  	s11 =	stileid.u32;
	s1 =	rddreg [dreg:$0x2];
	s2 =	simm.s32 $0x0  }
0x4: {  	s6 =	sand.u32 $0x1, s0;
	s28 =	sshll.u32 s11, $0x1;
	s0 =	rddreg [dreg:$0x3]  }
0x5: {  	[smem:$0x7FF] =	sst s2;
	s31 =	smul.u32 $0x2710, s11;
	p0 =	sne.s32 s11, $0x0  }
0x6: {  	s11 =	sshll.u32 s11, $0x6;
	s3 =	sor.u32 s6, s28;
	s8 =	smul.u32 $0x4E20, s6  }
0x7: {  	_ =	strace $0x8000004A;
	s6 =	ssub.s32 $0x2, s6;
	s7 =	smul.u32 $0x2800, s3  }
0x8: {  	s11 =	sor.u32 $0x1C01, s11;
	s9 =	smul.u32 $0x1400, s3;
	s3 =	sadd.s32 $0x54A00, s4  }
0x9: {  	s29 =	sshrl.u32 s6, $0x1;
	s12 =	sshrl.u32 s31, $0x3;
	s13 =	sadd.s32 s31, s1  }
0xa: {  	s8 =	sadd.s32 s8, s4;
	s6 =	ssub.s32 s6, s29;
	s7 =	sadd.s32 s7, s4  }
0xb: {  	s9 =	sshrl.u32 s9, $0x3;
	s10 =	sadd.s32 $0x59A00, s8;
	s6 =	smax.u32 s6, $0x1  }
0xc: {  	s8 =	simm.s32 $0x1;
	s30 =	sadd.s32 s5, s9;
	s5 =	sadd.s32 $0x4A00, s7  }
0xd: {  	s7 =	sshrl.u32 @!p0 s1, $0x3;
	s9 =	simm.s32 $0x80;
	s10 =	sadd.s32 s12, s10  }
0xe: {  	s12 =	sshrl.u32 s13, $0x3;
	s13 =	simm.s32 $0x0;
	s4 =	sadd.s32 $0x5000, s30  }
.LBB2_1:
0xf: {  	s14 =	simm.s32 @!p0 $0x1C01  }
0x10: {  	[spmem:s7], [sflag:s14] =	dma.local @!p0 [hbm:s3], $0x4E20  }
0x11: {  	s14 =	simm.s32 @!p0 $0x1  }
0x12: {  	_ =	swait.ge @!p0 [sflag:s14], $0x4E20  }
0x13: {  	[sflag:s14] =	ssyncset.done @!p0 $0x0  }
0x14: {  	[sflag:s14] =	ssyncadd.s32 @!p0 $0xFFFFB1E0  }
0x15: {  	[tilespmem:s2], [sflag:$0x1] =	stream.linear.gather [hbm4b:s4+s2], $0x1400, $0x38;
	[tilespmem:$0x17B10] =	vst v63  }
0x16: {  	_ =	swait.ge [sflag:s8], $0x1400  }
0x17: {  	[sflag:s8] =	ssyncset.done $0x0  }
0x18: {  	s14 =	simm.s32 $0x1400;
	[sflag:s8] =	ssyncadd.s32 $0xFFFFEC00  }
0x19: {  	[tilespmem:s14], [sflag:$0x1] =	stream.linear.gather [hbm4b:s5+s2], $0x14000, $0x38;
	[tilespmem:$0x17B10] =	vst v63  }
0x1a: {  	_ =	swait.ge [sflag:s8], $0x14000  }
0x1b: {  	[sflag:s8] =	ssyncset.done $0x0  }
0x1c: {  	[sflag:s8] =	ssyncadd.s32 $0xFFFEC000  }
0x1d: {  	s15 =	simm.s32 $0x0;
	[bflag:$0x0] =	sbarrier.arrive $0xFFFF  }
0x1e: {  	[spmem:s1] =	stream.indirect.scatter.add.f32 [tilespmem:s14], [sflag:$0x1], $0x10, s15, s9, $0xb8;
	[tilespmem:$0x17B10] =	vst v63  }
0x1f: {  	_ =	swait.ge [sflag:s8], $0x800  }
0x20: {  	s15 =	simm.s32 $0x200;
	[sflag:s8] =	ssyncset.done $0x0  }
.LBB2_2:
0x21: {  	s16 =	sshra.s32 s15, $0x2  }
0x22: {  	[sflag:s8] =	ssyncadd.s32 $0xFFFFF800;
	s14 =	sadd.s32 $0x800, s14;
	p1 =	sne.s32 s15, $0x4E00  }
0x23: {  	[spmem:s1] =	stream.indirect.scatter.add.f32 [tilespmem:s14], [sflag:$0x1], $0x10, s16, s9, $0xb8;
	[tilespmem:$0x17B10] =	vst v63  }
.Ltmp0:
0x24: {  	_ = 	snop;
	(pc) =	sbr.rel @p1 .LBB2_2-.Ltmp0, $4  }
0x25: {  	_ = 	snop  }
0x26: {  	s15 =	sadd.s32 $0x200, s15  }
0x27: {  	_ =	swait.ge [sflag:s8], $0x800  }
0x28: {  	[sflag:s8] =	ssyncset.done $0x0  }
0x29: {  	s13 =	sadd.s32 $0x1, s13  }
0x2a: {  	[sflag:s8] =	ssyncadd.s32 $0xFFFFF800;
	p1 =	sne.s32 s13, s6  }
.Ltmp1:
0x2b: {  	[bflag:$0x0] =	sbarrier.arrive $0xFFFF;
	(pc) =	sbr.rel @p1 .LBB2_1-.Ltmp1, $4  }
0x2c: {  	[hbm:s10], [sflag:s11] =	dma.local [spmem:s12], $0x4E2  }
0x2d: {  	_ =	swait.ge [sflag:s8], $0x4E2  }
0x2e: {  	[sflag:s8] =	ssyncset.done $0x0  }
0x2f: {  	[sflag:s8] =	ssyncadd.s32 $0xFFFFFB1E  }
0x30: {  	_ =	sfence.sel $0x180000  }
0x31: {  	[bflag:$0x0] =	sbarrier.arrive $0xFFFF  }
0x32: {  	_ =	strace $0x9000004A  }
0x33: {  	s0 =	sadd.s32 @!p0 $0x100000, s0;
	[bflag:$0x2] =	sbarrier.arrive $0xFFFF  }
0x34: {  	[sflag:s0] =	ssyncadd.tile.s32 @!p0 $0x1;
	_ =	shalt  }
.Lfunc_end2:
_tile_overlayer_lowered:
.L_overlay_start_2:
0x35: {  	(tag) =	ssettag $0x2  }
0x36: {  	s0 =	rddreg [dreg:$0x0];
	s2 =	stileid.u32  }
0x37: {  	s1 =	rddreg [dreg:$0x1];
	p0 =	sne.s32 s2, $0x0  }
0x38: {  	s3 =	rddreg [dreg:$0x2];
	[bflag:$0x3] =	sbarrier.arrive $0xFFFF;
	s2 =	simm.s32 @!p0 $0x1C01  }
0x39: {  	[timem:s3], [sflag:s2] =	dma.local @!p0 [hbm:s0], s1  }
0x3a: {  	s0 =	simm.s32 @!p0 $0x1  }
0x3b: {  	_ =	swait.ge @!p0 [sflag:s0], s1  }
0x3c: {  	s1 =	ssub.s32 @!p0 $0x0, s1;
	[sflag:s0] =	ssyncset.done @!p0 $0x0  }
0x3d: {  	[sflag:s0] =	ssyncadd.s32 @!p0 s1  }
0x3e: {  	[bflag:$0x3] =	sbarrier.arrive $0xFFFF  }
0x3f: {  	_ =	shalt  }

// kernel: kernel.8.cloned.1.call-start
scs
__scs_entry_jumppad:
0x0: {  	(pc) =	sbr.rel $0x88, $3  }
0x1: {  	(tag) =	ssettag $0x0;
	lr =	simm.s32 $0x1  }
0x2: {  	[smem:$0x3F8D] =	sst lr;
	_ =	strace $0xD0000000  }
0x3: {  	_ = 	snop  }
0x4: {  	_ = 	snop  }
0x5: {  	_ = 	snop  }
0x6: {  	_ = 	snop  }
0x7: {  	_ = 	snop  }
__scs_overlays_trampoline_lowered:
0x8: {  	[smem:$0x3F9C] =	sst s0  }
0x9: {  	[smem:$0x3F9D] =	sst s1  }
0xa: {  	[smem:$0x3F9E] =	sst s2  }
0xb: {  	[smem:$0x3F9F] =	sst s3  }
0xc: {  	[smem:$0x3FA0] =	sst s4  }
0xd: {  	[smem:$0x3FA1] =	sst s5  }
0xe: {  	[smem:$0x3FA2] =	sst s6  }
0xf: {  	[smem:$0x3FA3] =	sst s7  }
0x10: {  	[smem:$0x3FA4] =	sst s8  }
0x11: {  	[smem:$0x3FA5] =	sst s9;
	s0 =	simm.s32 @!p0 $0x0  }
0x12: {  	s1 =	sld [smem:$0x3F8B];
	s0 =	simm.s32 @p0 $0x1  }
0x13: {  	[smem:$0x3FA6] =	sst s0;
	s0 =	simm.s32 @!p1 $0x0  }
0x14: {  	s2 =	sld [smem:$0x3F8A];
	s0 =	simm.s32 @p1 $0x1  }
0x15: {  	[smem:$0x3FA7] =	sst s0;
	s0 =	simm.s32 @!p2 $0x0  }
0x16: {  	s3 =	sld [smem:$0x3FDB];
	s0 =	simm.s32 @p2 $0x1  }
0x17: {  	s4 =	simm.s32 $0x1BF5;
	[smem:$0x3FA9] =	sst s0  }
0x18: {  	s0 =	sld [smem:$0x3F8C];
	_ =	swait.ge [sflag:s4], $0x0  }
0x19: {  	s7 =	sld [smem:$0x3F8D]  }
0x1a: {  	s8 =	sadd.s32 $0xFFFFE003, lr  }
0x1b: {  	s9 =	sadd.s32 $0xFFFFFEF7, lr;
	s5 =	simm.s32 $0xFFFFFFFF;
	p2 =	slt.u32 s8, $0xFFFFF086  }
0x1c: {  	p1 =	slt.u32 s9, $0xF7A;
	s5 =	simm.s32 @!p2 $0x0  }
0x1d: {  	s5 =	simm.s32 @p1 $0x1;
	p0 =	seq.s32 s7, s2  }
0x1e: {  	s7 =	smul.u32 @!p0 $0xF7A, s2;
	p2 =	seq.s32 @!p0 s5, $0x0  }
0x1f: {  	s9 =	smul.u32 $0xF7A, s1;
	s8 =	simm.s32 @!p0 $0x1BF5;
	p2 =	por !p2, p0  }
0x20: {  	[sflag:s8] =	ssyncset.s32 @!p0 $0xFFFFF086;
	s6 =	sadd.s32 @!p0 s3, s7;
	s7 =	simm.s32 @!p0 $0x108  }
0x21: {  	s3 =	sadd.s32 s3, s9;
	s6 =	sadd.s32 @!p0 $0x88, s6;
	s7 =	simm.s32 @p2 $0x1082  }
0x22: {  	[simem:s7], [sflag:s8] =	dma.local @!p0 [hbm:s6], $0xF7A  }
0x23: {  	s9 =	sor.u32 $0xD0000000, s2;
	s6 =	simm.s32 $0x108;
	_ =	swait.ge @!p0 [sflag:s8], $0x0  }
0x24: {  	s3 =	sadd.s32 $0x88, s3;
	s6 =	simm.s32 @!p1 $0x1082;
	[sflag:s4] =	ssyncset.s32 $0xFFFFF086  }
0x25: {  	[simem:s6], [sflag:s4] =	dma.local [hbm:s3], $0xF7A  }
0x26: {  	[smem:$0x3F8D] =	sst s1;
	(tag) =	ssettag s2;
	_ =	strace s9  }
0x27: {  	s1 =	sld [smem:$0x3F9D]  }
0x28: {  	s2 =	sld [smem:$0x3F9E]  }
0x29: {  	s4 =	sld [smem:$0x3FA0]  }
0x2a: {  	p0 =	seq.s32 s5, $0x0;
	s5 =	sld [smem:$0x3FA1]  }
0x2b: {  	s6 =	sld [smem:$0x3FA2]  }
0x2c: {  	s7 =	sld [smem:$0x3FA3]  }
0x2d: {  	s3 =	simm.s32 $0x108;
	s8 =	sld [smem:$0x3FA4]  }
0x2e: {  	s3 =	simm.s32 @!p0 $0x1082;
	s9 =	sld [smem:$0x3FA5]  }
0x2f: {  	lr =	sadd.s32 s0, s3;
	s0 =	sld [smem:$0x3F9C]  }
0x30: {  	s3 =	sld [smem:$0x3F9F]  }
0x31: {  	[smem:$0x3FA8] =	sst s10  }
0x32: {  	s10 =	sld [smem:$0x3FA6];
	_ =	sdelay $0x3  }
0x33: {  	p0 =	seq.s32 s10, $0x1;
	s10 =	sld [smem:$0x3FA8];
	_ =	sdelay $0x3  }
0x34: {  	[smem:$0x3FA8] =	sst s10  }
0x35: {  	s10 =	sld [smem:$0x3FA7];
	_ =	sdelay $0x3  }
0x36: {  	p1 =	seq.s32 s10, $0x1;
	s10 =	sld [smem:$0x3FA8];
	_ =	sdelay $0x3  }
0x37: {  	[smem:$0x3FA8] =	sst s10  }
0x38: {  	s10 =	sld [smem:$0x3FA9]  }
0x39: {  	_ = 	snop;
	(pc) =	sbr.ind lr, $3  }
0x3a: {  	_ = 	snop  }
0x3b: {  	_ = 	snop  }
0x3c: {  	p2 =	seq.s32 s10, $0x1;
	s10 =	sld [smem:$0x3FA8]  }
0x3d: {  	_ =	shalt  }
0x3e: {  	_ =	shalt  }
0x3f: {  	_ =	shalt  }
0x40: {  	_ =	shalt  }
0x41: {  	_ =	shalt  }
0x42: {  	_ =	shalt  }
0x43: {  	_ =	shalt  }
0x44: {  	_ =	shalt  }
0x45: {  	_ =	shalt  }
0x46: {  	_ =	shalt  }
0x47: {  	_ =	shalt  }
0x48: {  	_ =	shalt  }
0x49: {  	_ =	shalt  }
0x4a: {  	_ =	shalt  }
0x4b: {  	_ =	shalt  }
0x4c: {  	_ =	shalt  }
0x4d: {  	_ =	shalt  }
0x4e: {  	_ =	shalt  }
0x4f: {  	_ =	shalt  }
0x50: {  	_ =	shalt  }
0x51: {  	_ =	shalt  }
0x52: {  	_ =	shalt  }
0x53: {  	_ =	shalt  }
0x54: {  	_ =	shalt  }
0x55: {  	_ =	shalt  }
0x56: {  	_ =	shalt  }
0x57: {  	_ =	shalt  }
0x58: {  	_ =	shalt  }
0x59: {  	_ =	shalt  }
0x5a: {  	_ =	shalt  }
0x5b: {  	_ =	shalt  }
0x5c: {  	_ =	shalt  }
0x5d: {  	_ =	shalt  }
0x5e: {  	_ =	shalt  }
0x5f: {  	_ =	shalt  }
0x60: {  	_ =	shalt  }
0x61: {  	_ =	shalt  }
0x62: {  	_ =	shalt  }
0x63: {  	_ =	shalt  }
0x64: {  	_ =	shalt  }
0x65: {  	_ =	shalt  }
0x66: {  	_ =	shalt  }
0x67: {  	_ =	shalt  }
0x68: {  	_ =	shalt  }
0x69: {  	_ =	shalt  }
0x6a: {  	_ =	shalt  }
0x6b: {  	_ =	shalt  }
0x6c: {  	_ =	shalt  }
0x6d: {  	_ =	shalt  }
0x6e: {  	_ =	shalt  }
0x6f: {  	_ =	shalt  }
0x70: {  	_ =	shalt  }
0x71: {  	_ =	shalt  }
0x72: {  	_ =	shalt  }
0x73: {  	_ =	shalt  }
0x74: {  	_ =	shalt  }
0x75: {  	_ =	shalt  }
0x76: {  	_ =	shalt  }
0x77: {  	_ =	shalt  }
0x78: {  	_ =	shalt  }
0x79: {  	_ =	shalt  }
0x7a: {  	_ =	shalt  }
0x7b: {  	_ =	shalt  }
0x7c: {  	_ =	shalt  }
0x7d: {  	_ =	shalt  }
0x7e: {  	_ =	shalt  }
0x7f: {  	_ =	shalt  }
0x80: {  	_ =	shalt  }
0x81: {  	_ =	shalt  }
0x82: {  	_ =	shalt  }
0x83: {  	_ =	shalt  }
0x84: {  	_ =	shalt  }
0x85: {  	_ =	shalt  }
0x86: {  	_ =	shalt  }
0x87: {  	_ =	shalt  }
.Lfunc_end0:
.L_simem_size_0:
called_computation_lowered:
.L_overlay_start_0:
0x88: {  	s2 =	sld [smem:$0x3FD9]  }
0x89: {  	s3 =	sld [smem:$0x3FFE];
	_ =	sdelay $0x1  }
0x8a: {  	s1 =	srdreg.scid  }
0x8b: {  	s0 =	sand.u32 $0x1, s1  }
0x8c: {  	s17 =	sshll.u32 s0, $0xA;
	s2 =	sadd.s32 s3, s2  }
0x8d: {  	s2 =	sadd.s32 s2, s17  }
0x8e: {  	[smem:$0x3FB4] =	sst s2  }
0x8f: {  	_ = 	snop  }
0x90: {  	s2 =	sld [smem:$0x3FD0];
	(tm) =	ssettm $0x1  }
0x91: {  	s18 =	sld [smem:$0x3FFB];
	_ =	sdelay $0x3  }
0x92: {  	_ =	strace s18  }
0x93: {  	s3 =	sld [smem:$0x3FFC];
	_ =	sdelay $0x3  }
0x94: {  	_ =	strace s3  }
0x95: {  	s3 =	sld [smem:$0x3FFD];
	_ =	sdelay $0x3  }
0x96: {  	_ =	strace s3  }
0x97: {  	_ =	strace $0x8FFFFFFF  }
0x98: {  	s19 =	sld [smem:$0x3FDB];
	_ =	sdelay $0x1  }
0x99: {  	s4 =	simm.s32 $_scs_section_size  }
0x9a: {  	s5 =	simm.s32 $_size__tile_overlayer_lowered;
	s6 =	simm.s32 $_tile_overlayer_lowered  }
0x9b: {  	s22 =	simm.s32 $0x1BFF;
	s21 =	sshll.u32 s6, $0x1;
	s3 =	sadd.s32 s4, s19  }
0x9c: {  	s7 =	simm.s32 $0x0;
	s20 =	sshll.u32 s5, $0x1;
	s5 =	sadd.s32 s21, s3  }
0x9d: {  	[timem:s7], [sflag:s22] =	dma.local [hbm:s5], s20  }
0x9e: {  	_ =	swait.ge [sflag:s22], s20  }
0x9f: {  	s4 =	ssub.s32 $0x0, s20;
	[sflag:s22] =	ssyncset.done $0x0  }
0xa0: {  	[sflag:s22] =	ssyncadd.s32 s4;
	_ =	sdelay $0x1  }
0xa1: {  	s23 =	simm.s32 $0x1B8B  }
0xa2: {  	_ =	swait.ge [sflag:s23], $0x1  }
0xa3: {  	[sflag:s23] =	ssyncset.done $0x0  }
0xa4: {  	s25 =	simm.s32 $0x1B8E;
	s24 =	sld [smem:$0x3FFE];
	[sflag:s23] =	ssyncadd.s32 $0xFFFFFFFF  }
0xa5: {  	s26 =	simm.s32 $execute0_lowered;
	[smem:$0x3FD2] =	sst s25  }
0xa6: {  	s5 =	sshll.u32 s26, $0x1;
	_ =	strace $0x80000046;
	[dreg:$0x1] =	wrdreg $0xFFFFFFFF  }
0xa7: {  	s28 =	simm.s32 $_size_execute0_lowered;
	s3 =	sadd.s32 s3, s5;
	[dreg:$0x0] =	wrdreg $0x0  }
0xa8: {  	s5 =	sshll.u32 s28, $0x1;
	[dreg:$0x2] =	wrdreg s3  }
0xa9: {  	[dreg:$0x3] =	wrdreg s5  }
0xaa: {  	[dreg:$0x4] =	wrdreg $0xC0  }
0xab: {  	_ =	task [dreg:s7], $0x5FFFF  }
0xac: {  	[dreg:$0x1] =	wrdreg $0xFFFFFFFF  }
0xad: {  	[dreg:$0x0] =	wrdreg $0x60  }
0xae: {  	[dreg:$0x2] =	wrdreg s24  }
0xaf: {  	[dreg:$0x3] =	wrdreg s2  }
0xb0: {  	[dreg:$0x4] =	wrdreg $0x154000  }
0xb1: {  	[dreg:$0x5] =	wrdreg $0x9  }
0xb2: {  	_ =	task.clear_ibuf [dreg:s7], $0x6FFFF;
	_ =	strace $0x90000046  }
0xb3: {  	s29 =	simm.s32 $0x9;
	_ =	strace $0x80000048  }
0xb4: {  	_ =	swait.ge [sflag:s29], $0x1  }
0xb5: {  	[sflag:s29] =	ssyncadd.s32 $0xFFFFFFFF  }
0xb6: {  	_ =	strace $0x90000048  }
0xb7: {  	_ =	sfence  }
0xb8: {  	s30 =	sld [smem:$0x0];
	_ =	sdelay $0x2  }
0xb9: {  	s31 =	sshll.u32 s1, $0xD;
	s1 =	sshrl.u32 s1, $0x2  }
0xba: {  	s3 =	sand.u32 $0x4000, s31;
	s1 =	sadd.s32 s1, s30  }
0xbb: {  	s0 =	sor.u32 s3, s0;
	s1 =	sshll.u32 s1, $0x11  }
0xbc: {  	s0 =	sor.u32 s1, s0  }
0xbd: {  	s0 =	sadd.s32 $0x8F2B, s0  }
0xbe: {  	[sflag:s0] =	ssyncadd.remote.s32 $0x1  }
0xbf: {  	_ =	sfence.sel $0xFFFF  }
0xc0: {  	[dreg:$0x0] =	wrdreg $0xFFFFFFFF;
	(pc) =	sbr.abs _section_cstart, $3  }
0xc1: {  	[dreg:$0x1] =	wrdreg $0xFFFFFFFF  }
0xc2: {  	_ =	task.clear_ibuf [dreg:s7], $0x2FFFF;
	_ =	strace $0x9FFFFFFF  }
0xc3: {  	(tm) =	ssettm $0x7FFFFFFF  }
tec
execute0_lowered:
.L_overlay_start_1:
0x0: {  	(tag) =	ssettag $0x1  }
0x1: {  	s4 =	rddreg [dreg:$0x0]  }
0x2: {  	s0 =	srdreg.scid;
	s5 =	rddreg [dreg:$0x1]  }
0x3: {  	s7 =	stileid.u32;
	s1 =	rddreg [dreg:$0x2]  }
0x4: {  	s2 =	simm.s32 $0x0;
	s11 =	simm.s32 $0x1400;
	s12 =	simm.s32 $0x0  }
0x5: {  	s3 =	sand.u32 $0x1, s0;
	s31 =	sshll.u32 s7, $0x1;
	s0 =	rddreg [dreg:$0x3]  }
0x6: {  	[smem:$0x7FF] =	sst s2;
	p0 =	sne.s32 s7, $0x0;
	s6 =	sor.u32 s3, s31  }
0x7: {  	s9 =	ssub.s32 $0x2, s3;
	_ =	strace $0x80000047;
	s8 =	smul.u32 $0x2800, s6  }
0x8: {  	s3 =	sadd.s32 $0x4A00, s4;
	s6 =	smul.u32 $0x280, s6;
	s10 =	sshrl.u32 s9, $0x1  }
0x9: {  	s7 =	sshrl.u32 @!p0 s1, $0x3;
	s9 =	ssub.s32 s9, s10;
	s10 =	simm.s32 $0x1  }
0xa: {  	s8 =	sadd.s32 s8, s4;
	s4 =	sadd.s32 s5, s6;
	s6 =	smax.u32 s9, $0x1  }
0xb: {  	s9 =	simm.s32 $0x80;
	s5 =	sadd.s32 $0x9A00, s8;
	s8 =	simm.s32 $0x2  }
.LBB2_1:
0xc: {  	s13 =	simm.s32 @!p0 $0x1C02  }
0xd: {  	[spmem:s7], [sflag:s13] =	dma.local @!p0 [hbm:s3], $0x4E20  }
0xe: {  	s13 =	simm.s32 @!p0 $0x2  }
0xf: {  	_ =	swait.ge @!p0 [sflag:s13], $0x4E20  }
0x10: {  	[sflag:s13] =	ssyncset.done @!p0 $0x0  }
0x11: {  	[sflag:s13] =	ssyncadd.s32 @!p0 $0xFFFFB1E0  }
0x12: {  	[tilespmem:s2], [sflag:$0x2] =	stream.linear.gather [hbm4b:s4+s2], $0x1400, $0x38;
	[tilespmem:$0x17B10] =	vst v63  }
0x13: {  	_ =	swait.ge [sflag:s8], $0x1400  }
0x14: {  	[sflag:s8] =	ssyncset.done $0x0  }
0x15: {  	s16 =	simm.s32 $0x0;
	s14 =	simm.s32 $0x1C00;
	[sflag:s8] =	ssyncadd.s32 $0xFFFFEC00  }
0x16: {  	s15 =	simm.s32 $0x1400;
	s13 =	simm.s32 $0x200;
	[bflag:$0x0] =	sbarrier.arrive $0xFFFF  }
.LBB2_2:
0x17: {  	[tilespmem:s15], [sflag:$0x1] =	stream.indirect.gather [spmem:s1], $0x10, s16, s9, $0xb8;
	[tilespmem:$0x17B10] =	vst v63  }
0x18: {  	s16 =	smov.u32 s13;
	s15 =	smov.u32 s14;
	p1 =	sne.s32 s13, $0x4E00  }
.Ltmp0:
0x19: {  	s13 =	sadd.s32 $0x200, s13;
	(pc) =	sbr.rel @p1 .LBB2_2-.Ltmp0, $2  }
0x1a: {  	_ =	sdelay $0x2  }
0x1b: {  	s14 =	sadd.s32 $0x800, s14;
	s16 =	sshra.s32 s16, $0x2  }
0x1c: {  	[tilespmem:s15], [sflag:$0x1] =	stream.indirect.gather [spmem:s1], $0x10, s16, s9, $0xb8;
	[tilespmem:$0x17B10] =	vst v63  }
0x1d: {  	s12 =	sadd.s32 $0x1, s12;
	_ =	swait.ge [sflag:s10], $0x14000  }
0x1e: {  	p1 =	sne.s32 s12, s6;
	[sflag:s10] =	ssyncset.done $0x0  }
.Ltmp1:
0x1f: {  	[sflag:s10] =	ssyncadd.s32 $0xFFFEC000;
	(pc) =	sbr.rel @p1 .LBB2_1-.Ltmp1, $4  }
0x20: {  	[hbm4b:s5+s2] =	stream.linear.scatter [tilespmem:s11], [sflag:$0x2], $0x14000, $0x38;
	[tilespmem:$0x17B10] =	vst v63  }
0x21: {  	_ =	swait.ge [sflag:s8], $0x14000  }
0x22: {  	[sflag:s8] =	ssyncset.done $0x0  }
0x23: {  	[sflag:s8] =	ssyncadd.s32 $0xFFFEC000  }
0x24: {  	_ =	sfence.sel $0x180000  }
0x25: {  	[bflag:$0x0] =	sbarrier.arrive $0xFFFF  }
0x26: {  	_ =	strace $0x90000047  }
0x27: {  	s0 =	sadd.s32 @!p0 $0x100000, s0;
	[bflag:$0x2] =	sbarrier.arrive $0xFFFF  }
0x28: {  	[sflag:s0] =	ssyncadd.tile.s32 @!p0 $0x1;
	_ =	shalt  }
.Lfunc_end2:
_tile_overlayer_lowered:
.L_overlay_start_2:
0x29: {  	(tag) =	ssettag $0x2  }
0x2a: {  	s0 =	rddreg [dreg:$0x0];
	s2 =	stileid.u32  }
0x2b: {  	s1 =	rddreg [dreg:$0x1];
	p0 =	sne.s32 s2, $0x0  }
0x2c: {  	s3 =	rddreg [dreg:$0x2];
	[bflag:$0x3] =	sbarrier.arrive $0xFFFF;
	s2 =	simm.s32 @!p0 $0x1C02  }
0x2d: {  	[timem:s3], [sflag:s2] =	dma.local @!p0 [hbm:s0], s1  }
0x2e: {  	s0 =	simm.s32 @!p0 $0x2  }
0x2f: {  	_ =	swait.ge @!p0 [sflag:s0], s1  }
0x30: {  	s1 =	ssub.s32 @!p0 $0x0, s1;
	[sflag:s0] =	ssyncset.done @!p0 $0x0  }
0x31: {  	[sflag:s0] =	ssyncadd.s32 @!p0 s1  }
0x32: {  	[bflag:$0x3] =	sbarrier.arrive $0xFFFF  }
0x33: {  	_ =	shalt  }

</sc_bundles>
